<compile_context>
chip_gen: v7x
topology: tpu7x:2x2x1
jax: 0.10.2.dev20260603
libtpu: 0.0.44.dev20260713+nightly
codegen_flags: <defaults>
</compile_context>

<pallas_src>
import functools

import jax
import jax.numpy as jnp
from jax import lax
from jax.experimental import pallas as pl
from jax.experimental.pallas import tpu as pltpu
from jax.experimental.pallas import tpu_sc as plsc


def _pad128(n):
    return (n + 1023) // 1024 * 1024



def _sc_mesh():
    return plsc.VectorSubcoreMesh(core_axis_name="c", subcore_axis_name="s")


def _make_sc_deg(E, N, NC, NS):
    NW = NC * NS
    EPW = E // NW
    NP = _pad128(N)

    @functools.partial(
        pl.kernel,
        mesh=_sc_mesh(),
        out_type=jax.ShapeDtypeStruct((NW * NP,), jnp.float32),
        scratch_types=[
            pltpu.VMEM((EPW,), jnp.int32),
            pltpu.VMEM((NP,), jnp.float32),
            pltpu.SemaphoreType.DMA,
        ],
        compiler_params=pltpu.CompilerParams(needs_layout_passes=False),
    )
    def deg_kernel(srcdst_hbm, out_hbm, dst_v, acc_v, sem):
        wid = lax.axis_index("s") * NC + lax.axis_index("c")
        c1 = pltpu.async_copy(srcdst_hbm.at[pl.ds(E + wid * EPW, EPW)], dst_v, sem)
        zeros = jnp.zeros((16,), jnp.float32)

        def zbody(i, carry):
            acc_v[pl.ds(i * 16, 16)] = zeros
            return carry

        lax.fori_loop(0, NP // 16, zbody, 0, unroll=8)
        c1.wait()
        ones = jnp.ones((16,), jnp.float32)

        def ebody(i, carry):
            di = dst_v[pl.ds(i * 16, 16)]
            plsc.addupdate_scatter(acc_v, [di], ones)
            return carry

        lax.fori_loop(0, EPW // 16, ebody, 0, unroll=8)
        pltpu.sync_copy(acc_v, out_hbm.at[pl.ds(wid * NP, NP)])

    return deg_kernel


def _make_sc_spmm(E, N, NC, NS):
    NW = NC * NS
    EPW = E // NW
    NP = _pad128(N)

    @functools.partial(
        pl.kernel,
        mesh=_sc_mesh(),
        out_type=jax.ShapeDtypeStruct((NW * NP,), jnp.float32),
        scratch_types=[
            pltpu.VMEM((EPW,), jnp.int32),
            pltpu.VMEM((EPW,), jnp.int32),
            pltpu.VMEM((N,), jnp.float32),
            pltpu.VMEM((NP,), jnp.float32),
            pltpu.SemaphoreType.DMA,
        ],
        compiler_params=pltpu.CompilerParams(needs_layout_passes=False),
    )
    def spmm_kernel(srcdst_hbm, v_hbm, out_hbm, src_v, dst_v, v_v, acc_v, sem):
        wid = lax.axis_index("s") * NC + lax.axis_index("c")
        c1 = pltpu.async_copy(srcdst_hbm.at[pl.ds(wid * EPW, EPW)], src_v, sem)
        c2 = pltpu.async_copy(srcdst_hbm.at[pl.ds(E + wid * EPW, EPW)], dst_v, sem)
        c3 = pltpu.async_copy(v_hbm, v_v, sem)
        zeros = jnp.zeros((16,), jnp.float32)

        def zbody(i, carry):
            acc_v[pl.ds(i * 16, 16)] = zeros
            return carry

        lax.fori_loop(0, NP // 16, zbody, 0, unroll=8)
        c1.wait()
        c2.wait()
        c3.wait()

        def ebody(i, carry):
            si = src_v[pl.ds(i * 16, 16)]
            di = dst_v[pl.ds(i * 16, 16)]
            vals = plsc.load_gather(v_v, [si])
            plsc.addupdate_scatter(acc_v, [di], vals)
            return carry

        lax.fori_loop(0, EPW // 16, ebody, 0, unroll=8)
        pltpu.sync_copy(acc_v, out_hbm.at[pl.ds(wid * NP, NP)])

    return spmm_kernel



def _tc_matvec_u2(x, s, W2):
    N, D = x.shape

    def body(x_ref, s_ref, w_ref, u2_ref):
        ws = s_ref[...][None, :] * w_ref[...]
        u = lax.dot_general(
            x_ref[...], ws, (((1,), (1,)), ((), ())),
            preferred_element_type=jnp.float32,
            precision=lax.Precision.DEFAULT,
        )
        u2_ref[...] = u[:, 0]

    return pl.pallas_call(
        body,
        out_shape=jax.ShapeDtypeStruct((N,), jnp.float32),
    )(x, s, W2)


def _tc_matvec_u01(x, s, W01, after):
    N, D = x.shape

    def body(x_ref, s_ref, w_ref, a_ref, u0_ref, u1_ref):
        ws = s_ref[...][None, :] * w_ref[...]
        u = lax.dot_general(
            x_ref[...], ws, (((1,), (1,)), ((), ())),
            preferred_element_type=jnp.float32,
            precision=lax.Precision.DEFAULT,
        )
        u0_ref[...] = u[:, 0]
        u1_ref[...] = u[:, 1]

    f32 = jnp.float32
    return pl.pallas_call(
        body,
        out_shape=[jax.ShapeDtypeStruct((N,), f32)] * 2,
    )(x, s, W01, after)


def _reduce_partials_call(body_last, partials, extra_inputs, n_out, N, NW, NP):

    def body(*refs):
        p_ref = refs[0]
        extras = refs[1:1 + len(extra_inputs)]
        outs = refs[1 + len(extra_inputs):]
        total = p_ref[pl.ds(0, NP)]
        for k in range(1, NW):
            total += p_ref[pl.ds(k * NP, NP)]
        body_last(total[:N], extras, outs)

    f32 = jnp.float32
    return pl.pallas_call(
        body,
        out_shape=[jax.ShapeDtypeStruct((N,), f32)] * n_out,
    )(partials, *extra_inputs)


def _tc_dinv(degp, u2, N, NW, NP):

    def last(deg, extras, outs):
        u2_ref, = extras
        dinv_ref, q2_ref = outs
        dinv = jnp.where(deg > 0, lax.rsqrt(jnp.maximum(deg, 1e-12)), 0.0)
        dinv_ref[...] = dinv
        q2_ref[...] = dinv * u2_ref[...]

    return _reduce_partials_call(last, degp, [u2], 2, N, NW, NP)


def _tc_mid(y1p, u1, dinv, N, NW, NP):

    def last(y1, extras, outs):
        u1_ref, dinv_ref = extras
        g_ref, = outs
        dinv = dinv_ref[...]
        g_ref[...] = dinv * (u1_ref[...] + dinv * y1)

    return _reduce_partials_call(last, y1p, [u1, dinv], 1, N, NW, NP)


def _tc_post(y2p, u0, dinv, b, N, NW, NP):

    def body(p_ref, u0_ref, dinv_ref, b_ref, out_ref):
        total = p_ref[pl.ds(0, NP)]
        for k in range(1, NW):
            total += p_ref[pl.ds(k * NP, NP)]
        out_ref[...] = u0_ref[...] + dinv_ref[...] * total[:N] + b_ref[...]

    return pl.pallas_call(
        body,
        out_shape=jax.ShapeDtypeStruct((N,), jnp.float32),
    )(y2p, u0, dinv, b)



def kernel(x, edge_index, s, W, b):
    N, D = x.shape
    E = edge_index.shape[1]
    K = W.shape[0] // D

    info = plsc.get_sparse_core_info()
    NC, NS = info.num_cores, info.num_subcores
    NW = NC * NS
    NP = _pad128(N)

    srcdst = edge_index.reshape(2 * E)
    Wr = W[:, 0].reshape(K, D)

    deg_k = _make_sc_deg(E, N, NC, NS)
    spmm_k = _make_sc_spmm(E, N, NC, NS)

    degp = deg_k(srcdst)
    u2 = _tc_matvec_u2(x, s, Wr[2:3])
    dinv, q2 = _tc_dinv(degp, u2, N, NW, NP)
    y1p = spmm_k(srcdst, q2)
    u0, u1 = _tc_matvec_u01(x, s, Wr[0:2], dinv)
    g = _tc_mid(y1p, u1, dinv, N, NW, NP)[0]
    y2p = spmm_k(srcdst, g)
    out = _tc_post(y2p, u0, dinv, b, N, NW, NP)
    return out.reshape(N, 1)

# --- scband reference (transcript-rebuilt; emitter-appended) ---
"""Pipeline reference for scband-edits-32701880992256 (READ-ONLY COPY).

The authoritative reference and input builder live on the scoring server;
editing this copy changes nothing except your own understanding.
"""

import jax, jax.numpy as jnp
import numpy as np

N = 10000   # node_num
D = 128     # nfeat
T = 2       # layer_threshold


def setup_inputs(seed: int = 0) -> dict:
    key = jax.random.key(seed)
    k1, k2, k3 = jax.random.split(key, 3)
    x = jax.random.normal(k1, (N, D), dtype=jnp.float32)
    edge_index = jax.random.randint(k2, (2, 320000), 0, N, dtype=jnp.int32)
    # learned parameters
    s = jnp.ones((D,), dtype=jnp.float32)  # X_debaising.s initialized uniform_(1,1) == ones
    limit = float(np.sqrt(6.0 / (D * (T + 1) + 1)))  # xavier_uniform for fc
    W = jax.random.uniform(k3, (D * (T + 1), 1), dtype=jnp.float32, minval=-limit, maxval=limit)
    b = jnp.zeros((1,), dtype=jnp.float32)
    return {"x": x, "edge_index": edge_index, "s": s, "W": W, "b": b}


def reference(x, edge_index, s, W, b):
    # EDITS core forward:
    #  X_debiased = X_debaising(x)  (feature rescaling by diag(s))
    #  X_agg = propagation_cat_new_filter(X_debiased, A_norm, layer_threshold)
    #  out = fc(X_agg)
    # A_norm is the symmetrically-normalized adjacency, represented here in
    # COO (edge_index) form; dense mm A_norm @ X becomes gather + scatter-add.
    src = edge_index[0]
    dst = edge_index[1]
    deg = jnp.zeros((N,), dtype=x.dtype).at[dst].add(jnp.ones_like(dst, dtype=x.dtype))
    deg_inv_sqrt = jnp.where(deg > 0, jax.lax.rsqrt(jnp.maximum(deg, 1e-12)), 0.0)
    edge_w = deg_inv_sqrt[src] * deg_inv_sqrt[dst]  # D^{-1/2} A D^{-1/2} values

    # X_debaising: torch.mm(feature, torch.diag(s))
    X_de = x * s[None, :]

    # propagation_cat_new_filter: iterative X_de = A_norm @ X_de, concat
    X_agg = X_de
    cur = X_de
    for _ in range(T):
        msg = cur[src] * edge_w[:, None]          # gather + scale
        cur = jnp.zeros_like(cur).at[dst].add(msg)  # scatter-add == spmm
        X_agg = jnp.concatenate([X_agg, cur], axis=1)

    # fc: nn.Linear(nfeat*(layer_threshold+1), 1)
    out = X_agg @ W + b
    return out

if __name__ == "__main__":
    import jax
    _d = setup_inputs()
    print(jax.jit(kernel)(*tuple(_d.values())))

</pallas_src>

<mosaic_0001>
#map = affine_map<(d0, d1) -> (0)>
module attributes {stable_mosaic.version = 14 : i64} {
  func.func @spmm_kernel(%arg0: i32, %arg1: i32, %arg2: memref<640000xi32, #tpu.memory_space<hbm>>, %arg3: memref<10000xf32, #tpu.memory_space<hbm>>, %arg4: memref<327680xf32, #tpu.memory_space<hbm>>, %arg5: memref<10000xi32, #tpu.memory_space<vmem>>, %arg6: memref<10000xi32, #tpu.memory_space<vmem>>, %arg7: memref<10000xf32, #tpu.memory_space<vmem>>, %arg8: memref<10240xf32, #tpu.memory_space<vmem>>, %arg9: memref<!tpu.dma_semaphore, #tpu.memory_space<semaphore_mem>>) attributes {dimension_semantics = [#tpu.dimension_semantics<core_parallel>, #tpu.dimension_semantics<subcore_parallel>], iteration_bounds = array<i64: 2, 16>, scalar_prefetch = 0 : i64, scratch_operands = 5 : i64, tpu.core_type = #tpu.core_type<sc_vector_subcore>, window_params = [{transform_indices = #map}, {transform_indices = #map}, {transform_indices = #map}]} {
    %mul3A = arith.constant 2 : i32
    %mul3A_0 = arith.muli %arg1, %mul3A : i32
    %add3A = arith.addi %mul3A_0, %arg0 : i32
    %mul3A_1 = arith.constant 10000 : i32
    %mul3A_2 = arith.muli %add3A, %mul3A_1 : i32
    %dma_start3A = tpu.memref_slice %arg2[%mul3A_2] : memref<640000xi32, #tpu.memory_space<hbm>> -> memref<10000xi32, #tpu.memory_space<hbm>>
    %dma_start3A_3 = tpu.memref_slice %arg2[%mul3A_2] : memref<640000xi32, #tpu.memory_space<hbm>> -> memref<10000xi32, #tpu.memory_space<hbm>>
    tpu.enqueue_dma source(%dma_start3A_3 : memref<10000xi32, #tpu.memory_space<hbm>>) target(%arg5 : memref<10000xi32, #tpu.memory_space<vmem>>) target_semaphore(%arg9 : memref<!tpu.dma_semaphore, #tpu.memory_space<semaphore_mem>>)
    %mul3A_4 = arith.constant 10000 : i32
    %mul3A_5 = arith.muli %add3A, %mul3A_4 : i32
    %add3A_6 = arith.constant 320000 : i32
    %add3A_7 = arith.addi %add3A_6, %mul3A_5 : i32
    %dma_start3A_8 = tpu.memref_slice %arg2[%add3A_7] : memref<640000xi32, #tpu.memory_space<hbm>> -> memref<10000xi32, #tpu.memory_space<hbm>>
    %dma_start3A_9 = tpu.memref_slice %arg2[%add3A_7] : memref<640000xi32, #tpu.memory_space<hbm>> -> memref<10000xi32, #tpu.memory_space<hbm>>
    tpu.enqueue_dma source(%dma_start3A_9 : memref<10000xi32, #tpu.memory_space<hbm>>) target(%arg6 : memref<10000xi32, #tpu.memory_space<vmem>>) target_semaphore(%arg9 : memref<!tpu.dma_semaphore, #tpu.memory_space<semaphore_mem>>)
    tpu.enqueue_dma source(%arg3 : memref<10000xf32, #tpu.memory_space<hbm>>) target(%arg7 : memref<10000xf32, #tpu.memory_space<vmem>>) target_semaphore(%arg9 : memref<!tpu.dma_semaphore, #tpu.memory_space<semaphore_mem>>)
    %broadcast_in_dim3A = arith.constant 0.000000e+00 : f32
    %broadcast_in_dim3A_10 = vector.broadcast %broadcast_in_dim3A : f32 to vector<16xf32>
    %scan3A = arith.constant 0 : i32
    %scan3A_11 = arith.constant 0 : i32
    %scan3A_12 = arith.constant 640 : i32
    %scan3A_13 = arith.addi %scan3A_11, %scan3A_12 : i32
    %scan3A_14 = arith.constant 8 : i32
    scf.for %scan3A_36 = %scan3A_11 to %scan3A_13 step %scan3A_14  : i32 {
      %mul3A_37 = arith.constant 16 : i32
      %mul3A_38 = arith.muli %scan3A_36, %mul3A_37 : i32
      %swap3A = arith.index_cast %mul3A_38 : i32 to index
      %swap3A_39 = tpu.vector_load %arg8[%swap3A] {strides = array<i32>} : memref<10240xf32, #tpu.memory_space<vmem>>, vector<16xf32>,
      tpu.vector_store %arg8[%swap3A], %broadcast_in_dim3A_10 {strides = array<i32>} : memref<10240xf32, #tpu.memory_space<vmem>>, vector<16xf32>,
      %scan3A_40 = arith.constant 1 : i32
      %scan3A_41 = arith.addi %scan3A_36, %scan3A_40 : i32
      %mul3A_42 = arith.constant 16 : i32
      %mul3A_43 = arith.muli %scan3A_41, %mul3A_42 : i32
      %swap3A_44 = arith.index_cast %mul3A_43 : i32 to index
      %swap3A_45 = tpu.vector_load %arg8[%swap3A_44] {strides = array<i32>} : memref<10240xf32, #tpu.memory_space<vmem>>, vector<16xf32>,
      tpu.vector_store %arg8[%swap3A_44], %broadcast_in_dim3A_10 {strides = array<i32>} : memref<10240xf32, #tpu.memory_space<vmem>>, vector<16xf32>,
      %scan3A_46 = arith.constant 2 : i32
      %scan3A_47 = arith.addi %scan3A_36, %scan3A_46 : i32
      %mul3A_48 = arith.constant 16 : i32
      %mul3A_49 = arith.muli %scan3A_47, %mul3A_48 : i32
      %swap3A_50 = arith.index_cast %mul3A_49 : i32 to index
      %swap3A_51 = tpu.vector_load %arg8[%swap3A_50] {strides = array<i32>} : memref<10240xf32, #tpu.memory_space<vmem>>, vector<16xf32>,
      tpu.vector_store %arg8[%swap3A_50], %broadcast_in_dim3A_10 {strides = array<i32>} : memref<10240xf32, #tpu.memory_space<vmem>>, vector<16xf32>,
      %scan3A_52 = arith.constant 3 : i32
      %scan3A_53 = arith.addi %scan3A_36, %scan3A_52 : i32
      %mul3A_54 = arith.constant 16 : i32
      %mul3A_55 = arith.muli %scan3A_53, %mul3A_54 : i32
      %swap3A_56 = arith.index_cast %mul3A_55 : i32 to index
      %swap3A_57 = tpu.vector_load %arg8[%swap3A_56] {strides = array<i32>} : memref<10240xf32, #tpu.memory_space<vmem>>, vector<16xf32>,
      tpu.vector_store %arg8[%swap3A_56], %broadcast_in_dim3A_10 {strides = array<i32>} : memref<10240xf32, #tpu.memory_space<vmem>>, vector<16xf32>,
      %scan3A_58 = arith.constant 4 : i32
      %scan3A_59 = arith.addi %scan3A_36, %scan3A_58 : i32
      %mul3A_60 = arith.constant 16 : i32
      %mul3A_61 = arith.muli %scan3A_59, %mul3A_60 : i32
      %swap3A_62 = arith.index_cast %mul3A_61 : i32 to index
      %swap3A_63 = tpu.vector_load %arg8[%swap3A_62] {strides = array<i32>} : memref<10240xf32, #tpu.memory_space<vmem>>, vector<16xf32>,
      tpu.vector_store %arg8[%swap3A_62], %broadcast_in_dim3A_10 {strides = array<i32>} : memref<10240xf32, #tpu.memory_space<vmem>>, vector<16xf32>,
      %scan3A_64 = arith.constant 5 : i32
      %scan3A_65 = arith.addi %scan3A_36, %scan3A_64 : i32
      %mul3A_66 = arith.constant 16 : i32
      %mul3A_67 = arith.muli %scan3A_65, %mul3A_66 : i32
      %swap3A_68 = arith.index_cast %mul3A_67 : i32 to index
      %swap3A_69 = tpu.vector_load %arg8[%swap3A_68] {strides = array<i32>} : memref<10240xf32, #tpu.memory_space<vmem>>, vector<16xf32>,
      tpu.vector_store %arg8[%swap3A_68], %broadcast_in_dim3A_10 {strides = array<i32>} : memref<10240xf32, #tpu.memory_space<vmem>>, vector<16xf32>,
      %scan3A_70 = arith.constant 6 : i32
      %scan3A_71 = arith.addi %scan3A_36, %scan3A_70 : i32
      %mul3A_72 = arith.constant 16 : i32
      %mul3A_73 = arith.muli %scan3A_71, %mul3A_72 : i32
      %swap3A_74 = arith.index_cast %mul3A_73 : i32 to index
      %swap3A_75 = tpu.vector_load %arg8[%swap3A_74] {strides = array<i32>} : memref<10240xf32, #tpu.memory_space<vmem>>, vector<16xf32>,
      tpu.vector_store %arg8[%swap3A_74], %broadcast_in_dim3A_10 {strides = array<i32>} : memref<10240xf32, #tpu.memory_space<vmem>>, vector<16xf32>,
      %scan3A_76 = arith.constant 7 : i32
      %scan3A_77 = arith.addi %scan3A_36, %scan3A_76 : i32
      %mul3A_78 = arith.constant 16 : i32
      %mul3A_79 = arith.muli %scan3A_77, %mul3A_78 : i32
      %swap3A_80 = arith.index_cast %mul3A_79 : i32 to index
      %swap3A_81 = tpu.vector_load %arg8[%swap3A_80] {strides = array<i32>} : memref<10240xf32, #tpu.memory_space<vmem>>, vector<16xf32>,
      tpu.vector_store %arg8[%swap3A_80], %broadcast_in_dim3A_10 {strides = array<i32>} : memref<10240xf32, #tpu.memory_space<vmem>>, vector<16xf32>,
    }
    %scan3A_15 = arith.constant 640 : i32
    %dma_wait3A = tpu.memref_slice %arg2[%mul3A_2] : memref<640000xi32, #tpu.memory_space<hbm>> -> memref<10000xi32, #tpu.memory_space<hbm>>
    %dma_wait3A_16 = tpu.memref_slice %arg2[%mul3A_2] : memref<640000xi32, #tpu.memory_space<hbm>> -> memref<10000xi32, #tpu.memory_space<hbm>>
    tpu.wait_dma2 semaphore(%arg9 : memref<!tpu.dma_semaphore, #tpu.memory_space<semaphore_mem>>) src(%dma_wait3A_16 : memref<10000xi32, #tpu.memory_space<hbm>>) dst(%arg5 : memref<10000xi32, #tpu.memory_space<vmem>>)
    %dma_wait3A_17 = tpu.memref_slice %arg2[%add3A_7] : memref<640000xi32, #tpu.memory_space<hbm>> -> memref<10000xi32, #tpu.memory_space<hbm>>
    %dma_wait3A_18 = tpu.memref_slice %arg2[%add3A_7] : memref<640000xi32, #tpu.memory_space<hbm>> -> memref<10000xi32, #tpu.memory_space<hbm>>
    tpu.wait_dma2 semaphore(%arg9 : memref<!tpu.dma_semaphore, #tpu.memory_space<semaphore_mem>>) src(%dma_wait3A_18 : memref<10000xi32, #tpu.memory_space<hbm>>) dst(%arg6 : memref<10000xi32, #tpu.memory_space<vmem>>)
    tpu.wait_dma2 semaphore(%arg9 : memref<!tpu.dma_semaphore, #tpu.memory_space<semaphore_mem>>) src(%arg3 : memref<10000xf32, #tpu.memory_space<hbm>>) dst(%arg7 : memref<10000xf32, #tpu.memory_space<vmem>>)
    %scan3A_19 = arith.constant 0 : i32
    %scan3A_20 = arith.constant 0 : i32
    %scan3A_21 = arith.constant 624 : i32
    %scan3A_22 = arith.addi %scan3A_20, %scan3A_21 : i32
    %scan3A_23 = arith.constant 8 : i32
    scf.for %scan3A_36 = %scan3A_20 to %scan3A_22 step %scan3A_23  : i32 {
      %mul3A_37 = arith.constant 16 : i32
      %mul3A_38 = arith.muli %scan3A_36, %mul3A_37 : i32
      %get3A_39 = arith.index_cast %mul3A_38 : i32 to index
      %get3A_40 = tpu.vector_load %arg5[%get3A_39] {strides = array<i32>} : memref<10000xi32, #tpu.memory_space<vmem>>, vector<16xi32>,
      %mul3A_41 = arith.constant 16 : i32
      %mul3A_42 = arith.muli %scan3A_36, %mul3A_41 : i32
      %get3A_43 = arith.index_cast %mul3A_42 : i32 to index
      %get3A_44 = tpu.vector_load %arg6[%get3A_43] {strides = array<i32>} : memref<10000xi32, #tpu.memory_space<vmem>>, vector<16xi32>,
      %gather3A_45 = tpu.vector_load_idx %arg7[%get3A_40] : memref<10000xf32, #tpu.memory_space<vmem>>[vector<16xi32>], vector<16xf32>,
      tpu.vector_store_idx %arg8[%get3A_44], %gather3A_45 {add = true} : memref<10240xf32, #tpu.memory_space<vmem>>[vector<16xi32>], vector<16xf32>,
      %scan3A_46 = arith.constant 1 : i32
      %scan3A_47 = arith.addi %scan3A_36, %scan3A_46 : i32
      %mul3A_48 = arith.constant 16 : i32
      %mul3A_49 = arith.muli %scan3A_47, %mul3A_48 : i32
      %get3A_50 = arith.index_cast %mul3A_49 : i32 to index
      %get3A_51 = tpu.vector_load %arg5[%get3A_50] {strides = array<i32>} : memref<10000xi32, #tpu.memory_space<vmem>>, vector<16xi32>,
      %mul3A_52 = arith.constant 16 : i32
      %mul3A_53 = arith.muli %scan3A_47, %mul3A_52 : i32
      %get3A_54 = arith.index_cast %mul3A_53 : i32 to index
      %get3A_55 = tpu.vector_load %arg6[%get3A_54] {strides = array<i32>} : memref<10000xi32, #tpu.memory_space<vmem>>, vector<16xi32>,
      %gather3A_56 = tpu.vector_load_idx %arg7[%get3A_51] : memref<10000xf32, #tpu.memory_space<vmem>>[vector<16xi32>], vector<16xf32>,
      tpu.vector_store_idx %arg8[%get3A_55], %gather3A_56 {add = true} : memref<10240xf32, #tpu.memory_space<vmem>>[vector<16xi32>], vector<16xf32>,
      %scan3A_57 = arith.constant 2 : i32
      %scan3A_58 = arith.addi %scan3A_36, %scan3A_57 : i32
      %mul3A_59 = arith.constant 16 : i32
      %mul3A_60 = arith.muli %scan3A_58, %mul3A_59 : i32
      %get3A_61 = arith.index_cast %mul3A_60 : i32 to index
      %get3A_62 = tpu.vector_load %arg5[%get3A_61] {strides = array<i32>} : memref<10000xi32, #tpu.memory_space<vmem>>, vector<16xi32>,
      %mul3A_63 = arith.constant 16 : i32
      %mul3A_64 = arith.muli %scan3A_58, %mul3A_63 : i32
      %get3A_65 = arith.index_cast %mul3A_64 : i32 to index
      %get3A_66 = tpu.vector_load %arg6[%get3A_65] {strides = array<i32>} : memref<10000xi32, #tpu.memory_space<vmem>>, vector<16xi32>,
      %gather3A_67 = tpu.vector_load_idx %arg7[%get3A_62] : memref<10000xf32, #tpu.memory_space<vmem>>[vector<16xi32>], vector<16xf32>,
      tpu.vector_store_idx %arg8[%get3A_66], %gather3A_67 {add = true} : memref<10240xf32, #tpu.memory_space<vmem>>[vector<16xi32>], vector<16xf32>,
      %scan3A_68 = arith.constant 3 : i32
      %scan3A_69 = arith.addi %scan3A_36, %scan3A_68 : i32
      %mul3A_70 = arith.constant 16 : i32
      %mul3A_71 = arith.muli %scan3A_69, %mul3A_70 : i32
      %get3A_72 = arith.index_cast %mul3A_71 : i32 to index
      %get3A_73 = tpu.vector_load %arg5[%get3A_72] {strides = array<i32>} : memref<10000xi32, #tpu.memory_space<vmem>>, vector<16xi32>,
      %mul3A_74 = arith.constant 16 : i32
      %mul3A_75 = arith.muli %scan3A_69, %mul3A_74 : i32
      %get3A_76 = arith.index_cast %mul3A_75 : i32 to index
      %get3A_77 = tpu.vector_load %arg6[%get3A_76] {strides = array<i32>} : memref<10000xi32, #tpu.memory_space<vmem>>, vector<16xi32>,
      %gather3A_78 = tpu.vector_load_idx %arg7[%get3A_73] : memref<10000xf32, #tpu.memory_space<vmem>>[vector<16xi32>], vector<16xf32>,
      tpu.vector_store_idx %arg8[%get3A_77], %gather3A_78 {add = true} : memref<10240xf32, #tpu.memory_space<vmem>>[vector<16xi32>], vector<16xf32>,
      %scan3A_79 = arith.constant 4 : i32
      %scan3A_80 = arith.addi %scan3A_36, %scan3A_79 : i32
      %mul3A_81 = arith.constant 16 : i32
      %mul3A_82 = arith.muli %scan3A_80, %mul3A_81 : i32
      %get3A_83 = arith.index_cast %mul3A_82 : i32 to index
      %get3A_84 = tpu.vector_load %arg5[%get3A_83] {strides = array<i32>} : memref<10000xi32, #tpu.memory_space<vmem>>, vector<16xi32>,
      %mul3A_85 = arith.constant 16 : i32
      %mul3A_86 = arith.muli %scan3A_80, %mul3A_85 : i32
      %get3A_87 = arith.index_cast %mul3A_86 : i32 to index
      %get3A_88 = tpu.vector_load %arg6[%get3A_87] {strides = array<i32>} : memref<10000xi32, #tpu.memory_space<vmem>>, vector<16xi32>,
      %gather3A_89 = tpu.vector_load_idx %arg7[%get3A_84] : memref<10000xf32, #tpu.memory_space<vmem>>[vector<16xi32>], vector<16xf32>,
      tpu.vector_store_idx %arg8[%get3A_88], %gather3A_89 {add = true} : memref<10240xf32, #tpu.memory_space<vmem>>[vector<16xi32>], vector<16xf32>,
      %scan3A_90 = arith.constant 5 : i32
      %scan3A_91 = arith.addi %scan3A_36, %scan3A_90 : i32
      %mul3A_92 = arith.constant 16 : i32
      %mul3A_93 = arith.muli %scan3A_91, %mul3A_92 : i32
      %get3A_94 = arith.index_cast %mul3A_93 : i32 to index
      %get3A_95 = tpu.vector_load %arg5[%get3A_94] {strides = array<i32>} : memref<10000xi32, #tpu.memory_space<vmem>>, vector<16xi32>,
      %mul3A_96 = arith.constant 16 : i32
      %mul3A_97 = arith.muli %scan3A_91, %mul3A_96 : i32
      %get3A_98 = arith.index_cast %mul3A_97 : i32 to index
      %get3A_99 = tpu.vector_load %arg6[%get3A_98] {strides = array<i32>} : memref<10000xi32, #tpu.memory_space<vmem>>, vector<16xi32>,
      %gather3A_100 = tpu.vector_load_idx %arg7[%get3A_95] : memref<10000xf32, #tpu.memory_space<vmem>>[vector<16xi32>], vector<16xf32>,
      tpu.vector_store_idx %arg8[%get3A_99], %gather3A_100 {add = true} : memref<10240xf32, #tpu.memory_space<vmem>>[vector<16xi32>], vector<16xf32>,
      %scan3A_101 = arith.constant 6 : i32
      %scan3A_102 = arith.addi %scan3A_36, %scan3A_101 : i32
      %mul3A_103 = arith.constant 16 : i32
      %mul3A_104 = arith.muli %scan3A_102, %mul3A_103 : i32
      %get3A_105 = arith.index_cast %mul3A_104 : i32 to index
      %get3A_106 = tpu.vector_load %arg5[%get3A_105] {strides = array<i32>} : memref<10000xi32, #tpu.memory_space<vmem>>, vector<16xi32>,
      %mul3A_107 = arith.constant 16 : i32
      %mul3A_108 = arith.muli %scan3A_102, %mul3A_107 : i32
      %get3A_109 = arith.index_cast %mul3A_108 : i32 to index
      %get3A_110 = tpu.vector_load %arg6[%get3A_109] {strides = array<i32>} : memref<10000xi32, #tpu.memory_space<vmem>>, vector<16xi32>,
      %gather3A_111 = tpu.vector_load_idx %arg7[%get3A_106] : memref<10000xf32, #tpu.memory_space<vmem>>[vector<16xi32>], vector<16xf32>,
      tpu.vector_store_idx %arg8[%get3A_110], %gather3A_111 {add = true} : memref<10240xf32, #tpu.memory_space<vmem>>[vector<16xi32>], vector<16xf32>,
      %scan3A_112 = arith.constant 7 : i32
      %scan3A_113 = arith.addi %scan3A_36, %scan3A_112 : i32
      %mul3A_114 = arith.constant 16 : i32
      %mul3A_115 = arith.muli %scan3A_113, %mul3A_114 : i32
      %get3A_116 = arith.index_cast %mul3A_115 : i32 to index
      %get3A_117 = tpu.vector_load %arg5[%get3A_116] {strides = array<i32>} : memref<10000xi32, #tpu.memory_space<vmem>>, vector<16xi32>,
      %mul3A_118 = arith.constant 16 : i32
      %mul3A_119 = arith.muli %scan3A_113, %mul3A_118 : i32
      %get3A_120 = arith.index_cast %mul3A_119 : i32 to index
      %get3A_121 = tpu.vector_load %arg6[%get3A_120] {strides = array<i32>} : memref<10000xi32, #tpu.memory_space<vmem>>, vector<16xi32>,
      %gather3A_122 = tpu.vector_load_idx %arg7[%get3A_117] : memref<10000xf32, #tpu.memory_space<vmem>>[vector<16xi32>], vector<16xf32>,
      tpu.vector_store_idx %arg8[%get3A_121], %gather3A_122 {add = true} : memref<10240xf32, #tpu.memory_space<vmem>>[vector<16xi32>], vector<16xf32>,
    }
    %scan3A_24 = arith.constant 624 : i32
    %scan3A_25 = arith.addi %scan3A_20, %scan3A_24 : i32
    %mul3A_26 = arith.constant 16 : i32
    %mul3A_27 = arith.muli %scan3A_25, %mul3A_26 : i32
    %get3A = arith.index_cast %mul3A_27 : i32 to index
    %get3A_28 = tpu.vector_load %arg5[%get3A] {strides = array<i32>} : memref<10000xi32, #tpu.memory_space<vmem>>, vector<16xi32>,
    %mul3A_29 = arith.constant 16 : i32
    %mul3A_30 = arith.muli %scan3A_25, %mul3A_29 : i32
    %get3A_31 = arith.index_cast %mul3A_30 : i32 to index
    %get3A_32 = tpu.vector_load %arg6[%get3A_31] {strides = array<i32>} : memref<10000xi32, #tpu.memory_space<vmem>>, vector<16xi32>,
    %gather3A = tpu.vector_load_idx %arg7[%get3A_28] : memref<10000xf32, #tpu.memory_space<vmem>>[vector<16xi32>], vector<16xf32>,
    tpu.vector_store_idx %arg8[%get3A_32], %gather3A {add = true} : memref<10240xf32, #tpu.memory_space<vmem>>[vector<16xi32>], vector<16xf32>,
    %scan3A_33 = arith.constant 625 : i32
    %mul3A_34 = arith.constant 10240 : i32
    %mul3A_35 = arith.muli %add3A, %mul3A_34 : i32
    "tpu.region"() ({
      %run_scoped3A = tpu.sem_alloc : memref<!tpu.dma_semaphore, #tpu.memory_space<semaphore_mem>>
      %dma_start3A_36 = tpu.memref_slice %arg4[%mul3A_35] : memref<327680xf32, #tpu.memory_space<hbm>> -> memref<10240xf32, #tpu.memory_space<hbm>>
      %dma_start3A_37 = tpu.memref_slice %arg4[%mul3A_35] : memref<327680xf32, #tpu.memory_space<hbm>> -> memref<10240xf32, #tpu.memory_space<hbm>>
      tpu.enqueue_dma source(%arg8 : memref<10240xf32, #tpu.memory_space<vmem>>) target(%dma_start3A_37 : memref<10240xf32, #tpu.memory_space<hbm>>) target_semaphore(%run_scoped3A : memref<!tpu.dma_semaphore, #tpu.memory_space<semaphore_mem>>)
      %dma_wait3A_38 = tpu.memref_slice %arg4[%mul3A_35] : memref<327680xf32, #tpu.memory_space<hbm>> -> memref<10240xf32, #tpu.memory_space<hbm>>
      %dma_wait3A_39 = tpu.memref_slice %arg4[%mul3A_35] : memref<327680xf32, #tpu.memory_space<hbm>> -> memref<10240xf32, #tpu.memory_space<hbm>>
      tpu.wait_dma2 semaphore(%run_scoped3A : memref<!tpu.dma_semaphore, #tpu.memory_space<semaphore_mem>>) src(%arg8 : memref<10240xf32, #tpu.memory_space<vmem>>) dst(%dma_wait3A_39 : memref<10240xf32, #tpu.memory_space<hbm>>)
      tpu.yield
    }) : () -> ()
    return
  }
}

#map = affine_map<(d0, d1) -> (0)>
module attributes {stable_mosaic.version = 14 : i64} {
  func.func @spmm_kernel(%arg0: i32, %arg1: i32, %arg2: memref<640000xi32, #tpu.memory_space<hbm>>, %arg3: memref<10000xf32, #tpu.memory_space<hbm>>, %arg4: memref<327680xf32, #tpu.memory_space<hbm>>, %arg5: memref<10000xi32, #tpu.memory_space<vmem>>, %arg6: memref<10000xi32, #tpu.memory_space<vmem>>, %arg7: memref<10000xf32, #tpu.memory_space<vmem>>, %arg8: memref<10240xf32, #tpu.memory_space<vmem>>, %arg9: memref<!tpu.dma_semaphore, #tpu.memory_space<semaphore_mem>>) attributes {dimension_semantics = [#tpu.dimension_semantics<core_parallel>, #tpu.dimension_semantics<subcore_parallel>], iteration_bounds = array<i64: 2, 16>, scalar_prefetch = 0 : i64, scratch_operands = 5 : i64, tpu.core_type = #tpu.core_type<sc_vector_subcore>, window_params = [{transform_indices = #map}, {transform_indices = #map}, {transform_indices = #map}]} {
    %mul3A = arith.constant 2 : i32
    %mul3A_0 = arith.muli %arg1, %mul3A : i32
    %add3A = arith.addi %mul3A_0, %arg0 : i32
    %mul3A_1 = arith.constant 10000 : i32
    %mul3A_2 = arith.muli %add3A, %mul3A_1 : i32
    %dma_start3A = tpu.memref_slice %arg2[%mul3A_2] : memref<640000xi32, #tpu.memory_space<hbm>> -> memref<10000xi32, #tpu.memory_space<hbm>>
    %dma_start3A_3 = tpu.memref_slice %arg2[%mul3A_2] : memref<640000xi32, #tpu.memory_space<hbm>> -> memref<10000xi32, #tpu.memory_space<hbm>>
    tpu.enqueue_dma source(%dma_start3A_3 : memref<10000xi32, #tpu.memory_space<hbm>>) target(%arg5 : memref<10000xi32, #tpu.memory_space<vmem>>) target_semaphore(%arg9 : memref<!tpu.dma_semaphore, #tpu.memory_space<semaphore_mem>>)
    %mul3A_4 = arith.constant 10000 : i32
    %mul3A_5 = arith.muli %add3A, %mul3A_4 : i32
    %add3A_6 = arith.constant 320000 : i32
    %add3A_7 = arith.addi %add3A_6, %mul3A_5 : i32
    %dma_start3A_8 = tpu.memref_slice %arg2[%add3A_7] : memref<640000xi32, #tpu.memory_space<hbm>> -> memref<10000xi32, #tpu.memory_space<hbm>>
    %dma_start3A_9 = tpu.memref_slice %arg2[%add3A_7] : memref<640000xi32, #tpu.memory_space<hbm>> -> memref<10000xi32, #tpu.memory_space<hbm>>
    tpu.enqueue_dma source(%dma_start3A_9 : memref<10000xi32, #tpu.memory_space<hbm>>) target(%arg6 : memref<10000xi32, #tpu.memory_space<vmem>>) target_semaphore(%arg9 : memref<!tpu.dma_semaphore, #tpu.memory_space<semaphore_mem>>)
    tpu.enqueue_dma source(%arg3 : memref<10000xf32, #tpu.memory_space<hbm>>) target(%arg7 : memref<10000xf32, #tpu.memory_space<vmem>>) target_semaphore(%arg9 : memref<!tpu.dma_semaphore, #tpu.memory_space<semaphore_mem>>)
    %broadcast_in_dim3A = arith.constant 0.000000e+00 : f32
    %broadcast_in_dim3A_10 = vector.broadcast %broadcast_in_dim3A : f32 to vector<16xf32>
    %scan3A = arith.constant 0 : i32
    %scan3A_11 = arith.constant 0 : i32
    %scan3A_12 = arith.constant 640 : i32
    %scan3A_13 = arith.addi %scan3A_11, %scan3A_12 : i32
    %scan3A_14 = arith.constant 8 : i32
    scf.for %scan3A_36 = %scan3A_11 to %scan3A_13 step %scan3A_14  : i32 {
      %mul3A_37 = arith.constant 16 : i32
      %mul3A_38 = arith.muli %scan3A_36, %mul3A_37 : i32
      %swap3A = arith.index_cast %mul3A_38 : i32 to index
      %swap3A_39 = tpu.vector_load %arg8[%swap3A] {strides = array<i32>} : memref<10240xf32, #tpu.memory_space<vmem>>, vector<16xf32>,
      tpu.vector_store %arg8[%swap3A], %broadcast_in_dim3A_10 {strides = array<i32>} : memref<10240xf32, #tpu.memory_space<vmem>>, vector<16xf32>,
      %scan3A_40 = arith.constant 1 : i32
      %scan3A_41 = arith.addi %scan3A_36, %scan3A_40 : i32
      %mul3A_42 = arith.constant 16 : i32
      %mul3A_43 = arith.muli %scan3A_41, %mul3A_42 : i32
      %swap3A_44 = arith.index_cast %mul3A_43 : i32 to index
      %swap3A_45 = tpu.vector_load %arg8[%swap3A_44] {strides = array<i32>} : memref<10240xf32, #tpu.memory_space<vmem>>, vector<16xf32>,
      tpu.vector_store %arg8[%swap3A_44], %broadcast_in_dim3A_10 {strides = array<i32>} : memref<10240xf32, #tpu.memory_space<vmem>>, vector<16xf32>,
      %scan3A_46 = arith.constant 2 : i32
      %scan3A_47 = arith.addi %scan3A_36, %scan3A_46 : i32
      %mul3A_48 = arith.constant 16 : i32
      %mul3A_49 = arith.muli %scan3A_47, %mul3A_48 : i32
      %swap3A_50 = arith.index_cast %mul3A_49 : i32 to index
      %swap3A_51 = tpu.vector_load %arg8[%swap3A_50] {strides = array<i32>} : memref<10240xf32, #tpu.memory_space<vmem>>, vector<16xf32>,
      tpu.vector_store %arg8[%swap3A_50], %broadcast_in_dim3A_10 {strides = array<i32>} : memref<10240xf32, #tpu.memory_space<vmem>>, vector<16xf32>,
      %scan3A_52 = arith.constant 3 : i32
      %scan3A_53 = arith.addi %scan3A_36, %scan3A_52 : i32
      %mul3A_54 = arith.constant 16 : i32
      %mul3A_55 = arith.muli %scan3A_53, %mul3A_54 : i32
      %swap3A_56 = arith.index_cast %mul3A_55 : i32 to index
      %swap3A_57 = tpu.vector_load %arg8[%swap3A_56] {strides = array<i32>} : memref<10240xf32, #tpu.memory_space<vmem>>, vector<16xf32>,
      tpu.vector_store %arg8[%swap3A_56], %broadcast_in_dim3A_10 {strides = array<i32>} : memref<10240xf32, #tpu.memory_space<vmem>>, vector<16xf32>,
      %scan3A_58 = arith.constant 4 : i32
      %scan3A_59 = arith.addi %scan3A_36, %scan3A_58 : i32
      %mul3A_60 = arith.constant 16 : i32
      %mul3A_61 = arith.muli %scan3A_59, %mul3A_60 : i32
      %swap3A_62 = arith.index_cast %mul3A_61 : i32 to index
      %swap3A_63 = tpu.vector_load %arg8[%swap3A_62] {strides = array<i32>} : memref<10240xf32, #tpu.memory_space<vmem>>, vector<16xf32>,
      tpu.vector_store %arg8[%swap3A_62], %broadcast_in_dim3A_10 {strides = array<i32>} : memref<10240xf32, #tpu.memory_space<vmem>>, vector<16xf32>,
      %scan3A_64 = arith.constant 5 : i32
      %scan3A_65 = arith.addi %scan3A_36, %scan3A_64 : i32
      %mul3A_66 = arith.constant 16 : i32
      %mul3A_67 = arith.muli %scan3A_65, %mul3A_66 : i32
      %swap3A_68 = arith.index_cast %mul3A_67 : i32 to index
      %swap3A_69 = tpu.vector_load %arg8[%swap3A_68] {strides = array<i32>} : memref<10240xf32, #tpu.memory_space<vmem>>, vector<16xf32>,
      tpu.vector_store %arg8[%swap3A_68], %broadcast_in_dim3A_10 {strides = array<i32>} : memref<10240xf32, #tpu.memory_space<vmem>>, vector<16xf32>,
      %scan3A_70 = arith.constant 6 : i32
      %scan3A_71 = arith.addi %scan3A_36, %scan3A_70 : i32
      %mul3A_72 = arith.constant 16 : i32
      %mul3A_73 = arith.muli %scan3A_71, %mul3A_72 : i32
      %swap3A_74 = arith.index_cast %mul3A_73 : i32 to index
      %swap3A_75 = tpu.vector_load %arg8[%swap3A_74] {strides = array<i32>} : memref<10240xf32, #tpu.memory_space<vmem>>, vector<16xf32>,
      tpu.vector_store %arg8[%swap3A_74], %broadcast_in_dim3A_10 {strides = array<i32>} : memref<10240xf32, #tpu.memory_space<vmem>>, vector<16xf32>,
      %scan3A_76 = arith.constant 7 : i32
      %scan3A_77 = arith.addi %scan3A_36, %scan3A_76 : i32
      %mul3A_78 = arith.constant 16 : i32
      %mul3A_79 = arith.muli %scan3A_77, %mul3A_78 : i32
      %swap3A_80 = arith.index_cast %mul3A_79 : i32 to index
      %swap3A_81 = tpu.vector_load %arg8[%swap3A_80] {strides = array<i32>} : memref<10240xf32, #tpu.memory_space<vmem>>, vector<16xf32>,
      tpu.vector_store %arg8[%swap3A_80], %broadcast_in_dim3A_10 {strides = array<i32>} : memref<10240xf32, #tpu.memory_space<vmem>>, vector<16xf32>,
    }
    %scan3A_15 = arith.constant 640 : i32
    %dma_wait3A = tpu.memref_slice %arg2[%mul3A_2] : memref<640000xi32, #tpu.memory_space<hbm>> -> memref<10000xi32, #tpu.memory_space<hbm>>
    %dma_wait3A_16 = tpu.memref_slice %arg2[%mul3A_2] : memref<640000xi32, #tpu.memory_space<hbm>> -> memref<10000xi32, #tpu.memory_space<hbm>>
    tpu.wait_dma2 semaphore(%arg9 : memref<!tpu.dma_semaphore, #tpu.memory_space<semaphore_mem>>) src(%dma_wait3A_16 : memref<10000xi32, #tpu.memory_space<hbm>>) dst(%arg5 : memref<10000xi32, #tpu.memory_space<vmem>>)
    %dma_wait3A_17 = tpu.memref_slice %arg2[%add3A_7] : memref<640000xi32, #tpu.memory_space<hbm>> -> memref<10000xi32, #tpu.memory_space<hbm>>
    %dma_wait3A_18 = tpu.memref_slice %arg2[%add3A_7] : memref<640000xi32, #tpu.memory_space<hbm>> -> memref<10000xi32, #tpu.memory_space<hbm>>
    tpu.wait_dma2 semaphore(%arg9 : memref<!tpu.dma_semaphore, #tpu.memory_space<semaphore_mem>>) src(%dma_wait3A_18 : memref<10000xi32, #tpu.memory_space<hbm>>) dst(%arg6 : memref<10000xi32, #tpu.memory_space<vmem>>)
    tpu.wait_dma2 semaphore(%arg9 : memref<!tpu.dma_semaphore, #tpu.memory_space<semaphore_mem>>) src(%arg3 : memref<10000xf32, #tpu.memory_space<hbm>>) dst(%arg7 : memref<10000xf32, #tpu.memory_space<vmem>>)
    %scan3A_19 = arith.constant 0 : i32
    %scan3A_20 = arith.constant 0 : i32
    %scan3A_21 = arith.constant 624 : i32
    %scan3A_22 = arith.addi %scan3A_20, %scan3A_21 : i32
    %scan3A_23 = arith.constant 8 : i32
    scf.for %scan3A_36 = %scan3A_20 to %scan3A_22 step %scan3A_23  : i32 {
      %mul3A_37 = arith.constant 16 : i32
      %mul3A_38 = arith.muli %scan3A_36, %mul3A_37 : i32
      %get3A_39 = arith.index_cast %mul3A_38 : i32 to index
      %get3A_40 = tpu.vector_load %arg5[%get3A_39] {strides = array<i32>} : memref<10000xi32, #tpu.memory_space<vmem>>, vector<16xi32>,
      %mul3A_41 = arith.constant 16 : i32
      %mul3A_42 = arith.muli %scan3A_36, %mul3A_41 : i32
      %get3A_43 = arith.index_cast %mul3A_42 : i32 to index
      %get3A_44 = tpu.vector_load %arg6[%get3A_43] {strides = array<i32>} : memref<10000xi32, #tpu.memory_space<vmem>>, vector<16xi32>,
      %gather3A_45 = tpu.vector_load_idx %arg7[%get3A_40] : memref<10000xf32, #tpu.memory_space<vmem>>[vector<16xi32>], vector<16xf32>,
      tpu.vector_store_idx %arg8[%get3A_44], %gather3A_45 {add = true} : memref<10240xf32, #tpu.memory_space<vmem>>[vector<16xi32>], vector<16xf32>,
      %scan3A_46 = arith.constant 1 : i32
      %scan3A_47 = arith.addi %scan3A_36, %scan3A_46 : i32
      %mul3A_48 = arith.constant 16 : i32
      %mul3A_49 = arith.muli %scan3A_47, %mul3A_48 : i32
      %get3A_50 = arith.index_cast %mul3A_49 : i32 to index
      %get3A_51 = tpu.vector_load %arg5[%get3A_50] {strides = array<i32>} : memref<10000xi32, #tpu.memory_space<vmem>>, vector<16xi32>,
      %mul3A_52 = arith.constant 16 : i32
      %mul3A_53 = arith.muli %scan3A_47, %mul3A_52 : i32
      %get3A_54 = arith.index_cast %mul3A_53 : i32 to index
      %get3A_55 = tpu.vector_load %arg6[%get3A_54] {strides = array<i32>} : memref<10000xi32, #tpu.memory_space<vmem>>, vector<16xi32>,
      %gather3A_56 = tpu.vector_load_idx %arg7[%get3A_51] : memref<10000xf32, #tpu.memory_space<vmem>>[vector<16xi32>], vector<16xf32>,
      tpu.vector_store_idx %arg8[%get3A_55], %gather3A_56 {add = true} : memref<10240xf32, #tpu.memory_space<vmem>>[vector<16xi32>], vector<16xf32>,
      %scan3A_57 = arith.constant 2 : i32
      %scan3A_58 = arith.addi %scan3A_36, %scan3A_57 : i32
      %mul3A_59 = arith.constant 16 : i32
      %mul3A_60 = arith.muli %scan3A_58, %mul3A_59 : i32
      %get3A_61 = arith.index_cast %mul3A_60 : i32 to index
      %get3A_62 = tpu.vector_load %arg5[%get3A_61] {strides = array<i32>} : memref<10000xi32, #tpu.memory_space<vmem>>, vector<16xi32>,
      %mul3A_63 = arith.constant 16 : i32
      %mul3A_64 = arith.muli %scan3A_58, %mul3A_63 : i32
      %get3A_65 = arith.index_cast %mul3A_64 : i32 to index
      %get3A_66 = tpu.vector_load %arg6[%get3A_65] {strides = array<i32>} : memref<10000xi32, #tpu.memory_space<vmem>>, vector<16xi32>,
      %gather3A_67 = tpu.vector_load_idx %arg7[%get3A_62] : memref<10000xf32, #tpu.memory_space<vmem>>[vector<16xi32>], vector<16xf32>,
      tpu.vector_store_idx %arg8[%get3A_66], %gather3A_67 {add = true} : memref<10240xf32, #tpu.memory_space<vmem>>[vector<16xi32>], vector<16xf32>,
      %scan3A_68 = arith.constant 3 : i32
      %scan3A_69 = arith.addi %scan3A_36, %scan3A_68 : i32
      %mul3A_70 = arith.constant 16 : i32
      %mul3A_71 = arith.muli %scan3A_69, %mul3A_70 : i32
      %get3A_72 = arith.index_cast %mul3A_71 : i32 to index
      %get3A_73 = tpu.vector_load %arg5[%get3A_72] {strides = array<i32>} : memref<10000xi32, #tpu.memory_space<vmem>>, vector<16xi32>,
      %mul3A_74 = arith.constant 16 : i32
      %mul3A_75 = arith.muli %scan3A_69, %mul3A_74 : i32
      %get3A_76 = arith.index_cast %mul3A_75 : i32 to index
      %get3A_77 = tpu.vector_load %arg6[%get3A_76] {strides = array<i32>} : memref<10000xi32, #tpu.memory_space<vmem>>, vector<16xi32>,
      %gather3A_78 = tpu.vector_load_idx %arg7[%get3A_73] : memref<10000xf32, #tpu.memory_space<vmem>>[vector<16xi32>], vector<16xf32>,
      tpu.vector_store_idx %arg8[%get3A_77], %gather3A_78 {add = true} : memref<10240xf32, #tpu.memory_space<vmem>>[vector<16xi32>], vector<16xf32>,
      %scan3A_79 = arith.constant 4 : i32
      %scan3A_80 = arith.addi %scan3A_36, %scan3A_79 : i32
      %mul3A_81 = arith.constant 16 : i32
      %mul3A_82 = arith.muli %scan3A_80, %mul3A_81 : i32
      %get3A_83 = arith.index_cast %mul3A_82 : i32 to index
      %get3A_84 = tpu.vector_load %arg5[%get3A_83] {strides = array<i32>} : memref<10000xi32, #tpu.memory_space<vmem>>, vector<16xi32>,
      %mul3A_85 = arith.constant 16 : i32
      %mul3A_86 = arith.muli %scan3A_80, %mul3A_85 : i32
      %get3A_87 = arith.index_cast %mul3A_86 : i32 to index
      %get3A_88 = tpu.vector_load %arg6[%get3A_87] {strides = array<i32>} : memref<10000xi32, #tpu.memory_space<vmem>>, vector<16xi32>,
      %gather3A_89 = tpu.vector_load_idx %arg7[%get3A_84] : memref<10000xf32, #tpu.memory_space<vmem>>[vector<16xi32>], vector<16xf32>,
      tpu.vector_store_idx %arg8[%get3A_88], %gather3A_89 {add = true} : memref<10240xf32, #tpu.memory_space<vmem>>[vector<16xi32>], vector<16xf32>,
      %scan3A_90 = arith.constant 5 : i32
      %scan3A_91 = arith.addi %scan3A_36, %scan3A_90 : i32
      %mul3A_92 = arith.constant 16 : i32
      %mul3A_93 = arith.muli %scan3A_91, %mul3A_92 : i32
      %get3A_94 = arith.index_cast %mul3A_93 : i32 to index
      %get3A_95 = tpu.vector_load %arg5[%get3A_94] {strides = array<i32>} : memref<10000xi32, #tpu.memory_space<vmem>>, vector<16xi32>,
      %mul3A_96 = arith.constant 16 : i32
      %mul3A_97 = arith.muli %scan3A_91, %mul3A_96 : i32
      %get3A_98 = arith.index_cast %mul3A_97 : i32 to index
      %get3A_99 = tpu.vector_load %arg6[%get3A_98] {strides = array<i32>} : memref<10000xi32, #tpu.memory_space<vmem>>, vector<16xi32>,
      %gather3A_100 = tpu.vector_load_idx %arg7[%get3A_95] : memref<10000xf32, #tpu.memory_space<vmem>>[vector<16xi32>], vector<16xf32>,
      tpu.vector_store_idx %arg8[%get3A_99], %gather3A_100 {add = true} : memref<10240xf32, #tpu.memory_space<vmem>>[vector<16xi32>], vector<16xf32>,
      %scan3A_101 = arith.constant 6 : i32
      %scan3A_102 = arith.addi %scan3A_36, %scan3A_101 : i32
      %mul3A_103 = arith.constant 16 : i32
      %mul3A_104 = arith.muli %scan3A_102, %mul3A_103 : i32
      %get3A_105 = arith.index_cast %mul3A_104 : i32 to index
      %get3A_106 = tpu.vector_load %arg5[%get3A_105] {strides = array<i32>} : memref<10000xi32, #tpu.memory_space<vmem>>, vector<16xi32>,
      %mul3A_107 = arith.constant 16 : i32
      %mul3A_108 = arith.muli %scan3A_102, %mul3A_107 : i32
      %get3A_109 = arith.index_cast %mul3A_108 : i32 to index
      %get3A_110 = tpu.vector_load %arg6[%get3A_109] {strides = array<i32>} : memref<10000xi32, #tpu.memory_space<vmem>>, vector<16xi32>,
      %gather3A_111 = tpu.vector_load_idx %arg7[%get3A_106] : memref<10000xf32, #tpu.memory_space<vmem>>[vector<16xi32>], vector<16xf32>,
      tpu.vector_store_idx %arg8[%get3A_110], %gather3A_111 {add = true} : memref<10240xf32, #tpu.memory_space<vmem>>[vector<16xi32>], vector<16xf32>,
      %scan3A_112 = arith.constant 7 : i32
      %scan3A_113 = arith.addi %scan3A_36, %scan3A_112 : i32
      %mul3A_114 = arith.constant 16 : i32
      %mul3A_115 = arith.muli %scan3A_113, %mul3A_114 : i32
      %get3A_116 = arith.index_cast %mul3A_115 : i32 to index
      %get3A_117 = tpu.vector_load %arg5[%get3A_116] {strides = array<i32>} : memref<10000xi32, #tpu.memory_space<vmem>>, vector<16xi32>,
      %mul3A_118 = arith.constant 16 : i32
      %mul3A_119 = arith.muli %scan3A_113, %mul3A_118 : i32
      %get3A_120 = arith.index_cast %mul3A_119 : i32 to index
      %get3A_121 = tpu.vector_load %arg6[%get3A_120] {strides = array<i32>} : memref<10000xi32, #tpu.memory_space<vmem>>, vector<16xi32>,
      %gather3A_122 = tpu.vector_load_idx %arg7[%get3A_117] : memref<10000xf32, #tpu.memory_space<vmem>>[vector<16xi32>], vector<16xf32>,
      tpu.vector_store_idx %arg8[%get3A_121], %gather3A_122 {add = true} : memref<10240xf32, #tpu.memory_space<vmem>>[vector<16xi32>], vector<16xf32>,
    }
    %scan3A_24 = arith.constant 624 : i32
    %scan3A_25 = arith.addi %scan3A_20, %scan3A_24 : i32
    %mul3A_26 = arith.constant 16 : i32
    %mul3A_27 = arith.muli %scan3A_25, %mul3A_26 : i32
    %get3A = arith.index_cast %mul3A_27 : i32 to index
    %get3A_28 = tpu.vector_load %arg5[%get3A] {strides = array<i32>} : memref<10000xi32, #tpu.memory_space<vmem>>, vector<16xi32>,
    %mul3A_29 = arith.constant 16 : i32
    %mul3A_30 = arith.muli %scan3A_25, %mul3A_29 : i32
    %get3A_31 = arith.index_cast %mul3A_30 : i32 to index
    %get3A_32 = tpu.vector_load %arg6[%get3A_31] {strides = array<i32>} : memref<10000xi32, #tpu.memory_space<vmem>>, vector<16xi32>,
    %gather3A = tpu.vector_load_idx %arg7[%get3A_28] : memref<10000xf32, #tpu.memory_space<vmem>>[vector<16xi32>], vector<16xf32>,
    tpu.vector_store_idx %arg8[%get3A_32], %gather3A {add = true} : memref<10240xf32, #tpu.memory_space<vmem>>[vector<16xi32>], vector<16xf32>,
    %scan3A_33 = arith.constant 625 : i32
    %mul3A_34 = arith.constant 10240 : i32
    %mul3A_35 = arith.muli %add3A, %mul3A_34 : i32
    "tpu.region"() ({
      %run_scoped3A = tpu.sem_alloc : memref<!tpu.dma_semaphore, #tpu.memory_space<semaphore_mem>>
      %dma_start3A_36 = tpu.memref_slice %arg4[%mul3A_35] : memref<327680xf32, #tpu.memory_space<hbm>> -> memref<10240xf32, #tpu.memory_space<hbm>>
      %dma_start3A_37 = tpu.memref_slice %arg4[%mul3A_35] : memref<327680xf32, #tpu.memory_space<hbm>> -> memref<10240xf32, #tpu.memory_space<hbm>>
      tpu.enqueue_dma source(%arg8 : memref<10240xf32, #tpu.memory_space<vmem>>) target(%dma_start3A_37 : memref<10240xf32, #tpu.memory_space<hbm>>) target_semaphore(%run_scoped3A : memref<!tpu.dma_semaphore, #tpu.memory_space<semaphore_mem>>)
      %dma_wait3A_38 = tpu.memref_slice %arg4[%mul3A_35] : memref<327680xf32, #tpu.memory_space<hbm>> -> memref<10240xf32, #tpu.memory_space<hbm>>
      %dma_wait3A_39 = tpu.memref_slice %arg4[%mul3A_35] : memref<327680xf32, #tpu.memory_space<hbm>> -> memref<10240xf32, #tpu.memory_space<hbm>>
      tpu.wait_dma2 semaphore(%run_scoped3A : memref<!tpu.dma_semaphore, #tpu.memory_space<semaphore_mem>>) src(%arg8 : memref<10240xf32, #tpu.memory_space<vmem>>) dst(%dma_wait3A_39 : memref<10240xf32, #tpu.memory_space<hbm>>)
      tpu.yield
    }) : () -> ()
    return
  }
}

#map = affine_map<(d0, d1) -> (0)>
module attributes {stable_mosaic.version = 14 : i64} {
  func.func @deg_kernel(%arg0: i32, %arg1: i32, %arg2: memref<640000xi32, #tpu.memory_space<hbm>>, %arg3: memref<327680xf32, #tpu.memory_space<hbm>>, %arg4: memref<10000xi32, #tpu.memory_space<vmem>>, %arg5: memref<10240xf32, #tpu.memory_space<vmem>>, %arg6: memref<!tpu.dma_semaphore, #tpu.memory_space<semaphore_mem>>) attributes {dimension_semantics = [#tpu.dimension_semantics<core_parallel>, #tpu.dimension_semantics<subcore_parallel>], iteration_bounds = array<i64: 2, 16>, scalar_prefetch = 0 : i64, scratch_operands = 3 : i64, tpu.core_type = #tpu.core_type<sc_vector_subcore>, window_params = [{transform_indices = #map}, {transform_indices = #map}]} {
    %mul3A = arith.constant 2 : i32
    %mul3A_0 = arith.muli %arg1, %mul3A : i32
    %add3A = arith.addi %mul3A_0, %arg0 : i32
    %mul3A_1 = arith.constant 10000 : i32
    %mul3A_2 = arith.muli %add3A, %mul3A_1 : i32
    %add3A_3 = arith.constant 320000 : i32
    %add3A_4 = arith.addi %add3A_3, %mul3A_2 : i32
    %dma_start3A = tpu.memref_slice %arg2[%add3A_4] : memref<640000xi32, #tpu.memory_space<hbm>> -> memref<10000xi32, #tpu.memory_space<hbm>>
    %dma_start3A_5 = tpu.memref_slice %arg2[%add3A_4] : memref<640000xi32, #tpu.memory_space<hbm>> -> memref<10000xi32, #tpu.memory_space<hbm>>
    tpu.enqueue_dma source(%dma_start3A_5 : memref<10000xi32, #tpu.memory_space<hbm>>) target(%arg4 : memref<10000xi32, #tpu.memory_space<vmem>>) target_semaphore(%arg6 : memref<!tpu.dma_semaphore, #tpu.memory_space<semaphore_mem>>)
    %broadcast_in_dim3A = arith.constant 0.000000e+00 : f32
    %broadcast_in_dim3A_6 = vector.broadcast %broadcast_in_dim3A : f32 to vector<16xf32>
    %scan3A = arith.constant 0 : i32
    %scan3A_7 = arith.constant 0 : i32
    %scan3A_8 = arith.constant 640 : i32
    %scan3A_9 = arith.addi %scan3A_7, %scan3A_8 : i32
    %scan3A_10 = arith.constant 8 : i32
    scf.for %scan3A_28 = %scan3A_7 to %scan3A_9 step %scan3A_10  : i32 {
      %mul3A_29 = arith.constant 16 : i32
      %mul3A_30 = arith.muli %scan3A_28, %mul3A_29 : i32
      %swap3A = arith.index_cast %mul3A_30 : i32 to index
      %swap3A_31 = tpu.vector_load %arg5[%swap3A] {strides = array<i32>} : memref<10240xf32, #tpu.memory_space<vmem>>, vector<16xf32>,
      tpu.vector_store %arg5[%swap3A], %broadcast_in_dim3A_6 {strides = array<i32>} : memref<10240xf32, #tpu.memory_space<vmem>>, vector<16xf32>,
      %scan3A_32 = arith.constant 1 : i32
      %scan3A_33 = arith.addi %scan3A_28, %scan3A_32 : i32
      %mul3A_34 = arith.constant 16 : i32
      %mul3A_35 = arith.muli %scan3A_33, %mul3A_34 : i32
      %swap3A_36 = arith.index_cast %mul3A_35 : i32 to index
      %swap3A_37 = tpu.vector_load %arg5[%swap3A_36] {strides = array<i32>} : memref<10240xf32, #tpu.memory_space<vmem>>, vector<16xf32>,
      tpu.vector_store %arg5[%swap3A_36], %broadcast_in_dim3A_6 {strides = array<i32>} : memref<10240xf32, #tpu.memory_space<vmem>>, vector<16xf32>,
      %scan3A_38 = arith.constant 2 : i32
      %scan3A_39 = arith.addi %scan3A_28, %scan3A_38 : i32
      %mul3A_40 = arith.constant 16 : i32
      %mul3A_41 = arith.muli %scan3A_39, %mul3A_40 : i32
      %swap3A_42 = arith.index_cast %mul3A_41 : i32 to index
      %swap3A_43 = tpu.vector_load %arg5[%swap3A_42] {strides = array<i32>} : memref<10240xf32, #tpu.memory_space<vmem>>, vector<16xf32>,
      tpu.vector_store %arg5[%swap3A_42], %broadcast_in_dim3A_6 {strides = array<i32>} : memref<10240xf32, #tpu.memory_space<vmem>>, vector<16xf32>,
      %scan3A_44 = arith.constant 3 : i32
      %scan3A_45 = arith.addi %scan3A_28, %scan3A_44 : i32
      %mul3A_46 = arith.constant 16 : i32
      %mul3A_47 = arith.muli %scan3A_45, %mul3A_46 : i32
      %swap3A_48 = arith.index_cast %mul3A_47 : i32 to index
      %swap3A_49 = tpu.vector_load %arg5[%swap3A_48] {strides = array<i32>} : memref<10240xf32, #tpu.memory_space<vmem>>, vector<16xf32>,
      tpu.vector_store %arg5[%swap3A_48], %broadcast_in_dim3A_6 {strides = array<i32>} : memref<10240xf32, #tpu.memory_space<vmem>>, vector<16xf32>,
      %scan3A_50 = arith.constant 4 : i32
      %scan3A_51 = arith.addi %scan3A_28, %scan3A_50 : i32
      %mul3A_52 = arith.constant 16 : i32
      %mul3A_53 = arith.muli %scan3A_51, %mul3A_52 : i32
      %swap3A_54 = arith.index_cast %mul3A_53 : i32 to index
      %swap3A_55 = tpu.vector_load %arg5[%swap3A_54] {strides = array<i32>} : memref<10240xf32, #tpu.memory_space<vmem>>, vector<16xf32>,
      tpu.vector_store %arg5[%swap3A_54], %broadcast_in_dim3A_6 {strides = array<i32>} : memref<10240xf32, #tpu.memory_space<vmem>>, vector<16xf32>,
      %scan3A_56 = arith.constant 5 : i32
      %scan3A_57 = arith.addi %scan3A_28, %scan3A_56 : i32
      %mul3A_58 = arith.constant 16 : i32
      %mul3A_59 = arith.muli %scan3A_57, %mul3A_58 : i32
      %swap3A_60 = arith.index_cast %mul3A_59 : i32 to index
      %swap3A_61 = tpu.vector_load %arg5[%swap3A_60] {strides = array<i32>} : memref<10240xf32, #tpu.memory_space<vmem>>, vector<16xf32>,
      tpu.vector_store %arg5[%swap3A_60], %broadcast_in_dim3A_6 {strides = array<i32>} : memref<10240xf32, #tpu.memory_space<vmem>>, vector<16xf32>,
      %scan3A_62 = arith.constant 6 : i32
      %scan3A_63 = arith.addi %scan3A_28, %scan3A_62 : i32
      %mul3A_64 = arith.constant 16 : i32
      %mul3A_65 = arith.muli %scan3A_63, %mul3A_64 : i32
      %swap3A_66 = arith.index_cast %mul3A_65 : i32 to index
      %swap3A_67 = tpu.vector_load %arg5[%swap3A_66] {strides = array<i32>} : memref<10240xf32, #tpu.memory_space<vmem>>, vector<16xf32>,
      tpu.vector_store %arg5[%swap3A_66], %broadcast_in_dim3A_6 {strides = array<i32>} : memref<10240xf32, #tpu.memory_space<vmem>>, vector<16xf32>,
      %scan3A_68 = arith.constant 7 : i32
      %scan3A_69 = arith.addi %scan3A_28, %scan3A_68 : i32
      %mul3A_70 = arith.constant 16 : i32
      %mul3A_71 = arith.muli %scan3A_69, %mul3A_70 : i32
      %swap3A_72 = arith.index_cast %mul3A_71 : i32 to index
      %swap3A_73 = tpu.vector_load %arg5[%swap3A_72] {strides = array<i32>} : memref<10240xf32, #tpu.memory_space<vmem>>, vector<16xf32>,
      tpu.vector_store %arg5[%swap3A_72], %broadcast_in_dim3A_6 {strides = array<i32>} : memref<10240xf32, #tpu.memory_space<vmem>>, vector<16xf32>,
    }
    %scan3A_11 = arith.constant 640 : i32
    %dma_wait3A = tpu.memref_slice %arg2[%add3A_4] : memref<640000xi32, #tpu.memory_space<hbm>> -> memref<10000xi32, #tpu.memory_space<hbm>>
    %dma_wait3A_12 = tpu.memref_slice %arg2[%add3A_4] : memref<640000xi32, #tpu.memory_space<hbm>> -> memref<10000xi32, #tpu.memory_space<hbm>>
    tpu.wait_dma2 semaphore(%arg6 : memref<!tpu.dma_semaphore, #tpu.memory_space<semaphore_mem>>) src(%dma_wait3A_12 : memref<10000xi32, #tpu.memory_space<hbm>>) dst(%arg4 : memref<10000xi32, #tpu.memory_space<vmem>>)
    %broadcast_in_dim3A_13 = arith.constant 1.000000e+00 : f32
    %broadcast_in_dim3A_14 = vector.broadcast %broadcast_in_dim3A_13 : f32 to vector<16xf32>
    %scan3A_15 = arith.constant 0 : i32
    %scan3A_16 = arith.constant 0 : i32
    %scan3A_17 = arith.constant 624 : i32
    %scan3A_18 = arith.addi %scan3A_16, %scan3A_17 : i32
    %scan3A_19 = arith.constant 8 : i32
    scf.for %scan3A_28 = %scan3A_16 to %scan3A_18 step %scan3A_19  : i32 {
      %mul3A_29 = arith.constant 16 : i32
      %mul3A_30 = arith.muli %scan3A_28, %mul3A_29 : i32
      %get3A_31 = arith.index_cast %mul3A_30 : i32 to index
      %get3A_32 = tpu.vector_load %arg4[%get3A_31] {strides = array<i32>} : memref<10000xi32, #tpu.memory_space<vmem>>, vector<16xi32>,
      tpu.vector_store_idx %arg5[%get3A_32], %broadcast_in_dim3A_14 {add = true} : memref<10240xf32, #tpu.memory_space<vmem>>[vector<16xi32>], vector<16xf32>,
      %scan3A_33 = arith.constant 1 : i32
      %scan3A_34 = arith.addi %scan3A_28, %scan3A_33 : i32
      %mul3A_35 = arith.constant 16 : i32
      %mul3A_36 = arith.muli %scan3A_34, %mul3A_35 : i32
      %get3A_37 = arith.index_cast %mul3A_36 : i32 to index
      %get3A_38 = tpu.vector_load %arg4[%get3A_37] {strides = array<i32>} : memref<10000xi32, #tpu.memory_space<vmem>>, vector<16xi32>,
      tpu.vector_store_idx %arg5[%get3A_38], %broadcast_in_dim3A_14 {add = true} : memref<10240xf32, #tpu.memory_space<vmem>>[vector<16xi32>], vector<16xf32>,
      %scan3A_39 = arith.constant 2 : i32
      %scan3A_40 = arith.addi %scan3A_28, %scan3A_39 : i32
      %mul3A_41 = arith.constant 16 : i32
      %mul3A_42 = arith.muli %scan3A_40, %mul3A_41 : i32
      %get3A_43 = arith.index_cast %mul3A_42 : i32 to index
      %get3A_44 = tpu.vector_load %arg4[%get3A_43] {strides = array<i32>} : memref<10000xi32, #tpu.memory_space<vmem>>, vector<16xi32>,
      tpu.vector_store_idx %arg5[%get3A_44], %broadcast_in_dim3A_14 {add = true} : memref<10240xf32, #tpu.memory_space<vmem>>[vector<16xi32>], vector<16xf32>,
      %scan3A_45 = arith.constant 3 : i32
      %scan3A_46 = arith.addi %scan3A_28, %scan3A_45 : i32
      %mul3A_47 = arith.constant 16 : i32
      %mul3A_48 = arith.muli %scan3A_46, %mul3A_47 : i32
      %get3A_49 = arith.index_cast %mul3A_48 : i32 to index
      %get3A_50 = tpu.vector_load %arg4[%get3A_49] {strides = array<i32>} : memref<10000xi32, #tpu.memory_space<vmem>>, vector<16xi32>,
      tpu.vector_store_idx %arg5[%get3A_50], %broadcast_in_dim3A_14 {add = true} : memref<10240xf32, #tpu.memory_space<vmem>>[vector<16xi32>], vector<16xf32>,
      %scan3A_51 = arith.constant 4 : i32
      %scan3A_52 = arith.addi %scan3A_28, %scan3A_51 : i32
      %mul3A_53 = arith.constant 16 : i32
      %mul3A_54 = arith.muli %scan3A_52, %mul3A_53 : i32
      %get3A_55 = arith.index_cast %mul3A_54 : i32 to index
      %get3A_56 = tpu.vector_load %arg4[%get3A_55] {strides = array<i32>} : memref<10000xi32, #tpu.memory_space<vmem>>, vector<16xi32>,
      tpu.vector_store_idx %arg5[%get3A_56], %broadcast_in_dim3A_14 {add = true} : memref<10240xf32, #tpu.memory_space<vmem>>[vector<16xi32>], vector<16xf32>,
      %scan3A_57 = arith.constant 5 : i32
      %scan3A_58 = arith.addi %scan3A_28, %scan3A_57 : i32
      %mul3A_59 = arith.constant 16 : i32
      %mul3A_60 = arith.muli %scan3A_58, %mul3A_59 : i32
      %get3A_61 = arith.index_cast %mul3A_60 : i32 to index
      %get3A_62 = tpu.vector_load %arg4[%get3A_61] {strides = array<i32>} : memref<10000xi32, #tpu.memory_space<vmem>>, vector<16xi32>,
      tpu.vector_store_idx %arg5[%get3A_62], %broadcast_in_dim3A_14 {add = true} : memref<10240xf32, #tpu.memory_space<vmem>>[vector<16xi32>], vector<16xf32>,
      %scan3A_63 = arith.constant 6 : i32
      %scan3A_64 = arith.addi %scan3A_28, %scan3A_63 : i32
      %mul3A_65 = arith.constant 16 : i32
      %mul3A_66 = arith.muli %scan3A_64, %mul3A_65 : i32
      %get3A_67 = arith.index_cast %mul3A_66 : i32 to index
      %get3A_68 = tpu.vector_load %arg4[%get3A_67] {strides = array<i32>} : memref<10000xi32, #tpu.memory_space<vmem>>, vector<16xi32>,
      tpu.vector_store_idx %arg5[%get3A_68], %broadcast_in_dim3A_14 {add = true} : memref<10240xf32, #tpu.memory_space<vmem>>[vector<16xi32>], vector<16xf32>,
      %scan3A_69 = arith.constant 7 : i32
      %scan3A_70 = arith.addi %scan3A_28, %scan3A_69 : i32
      %mul3A_71 = arith.constant 16 : i32
      %mul3A_72 = arith.muli %scan3A_70, %mul3A_71 : i32
      %get3A_73 = arith.index_cast %mul3A_72 : i32 to index
      %get3A_74 = tpu.vector_load %arg4[%get3A_73] {strides = array<i32>} : memref<10000xi32, #tpu.memory_space<vmem>>, vector<16xi32>,
      tpu.vector_store_idx %arg5[%get3A_74], %broadcast_in_dim3A_14 {add = true} : memref<10240xf32, #tpu.memory_space<vmem>>[vector<16xi32>], vector<16xf32>,
    }
    %scan3A_20 = arith.constant 624 : i32
    %scan3A_21 = arith.addi %scan3A_16, %scan3A_20 : i32
    %mul3A_22 = arith.constant 16 : i32
    %mul3A_23 = arith.muli %scan3A_21, %mul3A_22 : i32
    %get3A = arith.index_cast %mul3A_23 : i32 to index
    %get3A_24 = tpu.vector_load %arg4[%get3A] {strides = array<i32>} : memref<10000xi32, #tpu.memory_space<vmem>>, vector<16xi32>,
    tpu.vector_store_idx %arg5[%get3A_24], %broadcast_in_dim3A_14 {add = true} : memref<10240xf32, #tpu.memory_space<vmem>>[vector<16xi32>], vector<16xf32>,
    %scan3A_25 = arith.constant 625 : i32
    %mul3A_26 = arith.constant 10240 : i32
    %mul3A_27 = arith.muli %add3A, %mul3A_26 : i32
    "tpu.region"() ({
      %run_scoped3A = tpu.sem_alloc : memref<!tpu.dma_semaphore, #tpu.memory_space<semaphore_mem>>
      %dma_start3A_28 = tpu.memref_slice %arg3[%mul3A_27] : memref<327680xf32, #tpu.memory_space<hbm>> -> memref<10240xf32, #tpu.memory_space<hbm>>
      %dma_start3A_29 = tpu.memref_slice %arg3[%mul3A_27] : memref<327680xf32, #tpu.memory_space<hbm>> -> memref<10240xf32, #tpu.memory_space<hbm>>
      tpu.enqueue_dma source(%arg5 : memref<10240xf32, #tpu.memory_space<vmem>>) target(%dma_start3A_29 : memref<10240xf32, #tpu.memory_space<hbm>>) target_semaphore(%run_scoped3A : memref<!tpu.dma_semaphore, #tpu.memory_space<semaphore_mem>>)
      %dma_wait3A_30 = tpu.memref_slice %arg3[%mul3A_27] : memref<327680xf32, #tpu.memory_space<hbm>> -> memref<10240xf32, #tpu.memory_space<hbm>>
      %dma_wait3A_31 = tpu.memref_slice %arg3[%mul3A_27] : memref<327680xf32, #tpu.memory_space<hbm>> -> memref<10240xf32, #tpu.memory_space<hbm>>
      tpu.wait_dma2 semaphore(%run_scoped3A : memref<!tpu.dma_semaphore, #tpu.memory_space<semaphore_mem>>) src(%arg5 : memref<10240xf32, #tpu.memory_space<vmem>>) dst(%dma_wait3A_31 : memref<10240xf32, #tpu.memory_space<hbm>>)
      tpu.yield
    }) : () -> ()
    return
  }
}

module attributes {stable_mosaic.version = 14 : i64} {
  func.func @body(%arg0: memref<10000x128xf32, #tpu.memory_space<vmem>>, %arg1: memref<128xf32, #tpu.memory_space<vmem>>, %arg2: memref<1x128xf32, #tpu.memory_space<vmem>>, %arg3: memref<10000xf32, #tpu.memory_space<vmem>>) attributes {dimension_semantics = [], scalar_prefetch = 0 : i64, scratch_operands = 0 : i64, tpu.core_type = #tpu.core_type<tc>} {
    %get3A = arith.constant 0 : index
    %get3A_0 = vector.load %arg1[%get3A] : memref<128xf32, #tpu.memory_space<vmem>>, vector<128xf32>
    %broadcast_in_dim3A = vector.shape_cast %get3A_0 : vector<128xf32> to vector<1x128xf32>
    %get3A_1 = arith.constant 0 : index
    %get3A_2 = arith.constant 0 : index
    %get3A_3 = vector.load %arg2[%get3A_1, %get3A_2] : memref<1x128xf32, #tpu.memory_space<vmem>>, vector<1x128xf32>
    %mul3A = arith.mulf %broadcast_in_dim3A, %get3A_3 : vector<1x128xf32>
    %get3A_4 = arith.constant 0 : index
    %get3A_5 = arith.constant 0 : index
    %get3A_6 = vector.load %arg0[%get3A_4, %get3A_5] : memref<10000x128xf32, #tpu.memory_space<vmem>>, vector<10000x128xf32>
    %dot_general3A = arith.constant dense<0.000000e+00> : vector<10000x1xf32>
    %dot_general3A_7 = tpu.matmul %get3A_6, %mul3A, %dot_general3A {dimension_numbers = #tpu.dot_dimension_numbers<[1], [1], [0], [0], [0, 0, 1, 0], [], []>, transpose_lhs_hint = false} : vector<10000x128xf32>, vector<1x128xf32>, vector<10000x1xf32> -> vector<10000x1xf32>
    %squeeze3A = vector.shape_cast %dot_general3A_7 : vector<10000x1xf32> to vector<10000xf32>
    %swap3A = arith.constant 0 : index
    %swap3A_8 = vector.load %arg3[%swap3A] : memref<10000xf32, #tpu.memory_space<vmem>>, vector<10000xf32>
    tpu.vector_store %arg3[%swap3A], %squeeze3A {strides = array<i32>} : memref<10000xf32, #tpu.memory_space<vmem>>, vector<10000xf32>,
    return
  }
}

module attributes {stable_mosaic.version = 14 : i64} {
  func.func @body(%arg0: memref<327680xf32, #tpu.memory_space<vmem>>, %arg1: memref<10000xf32, #tpu.memory_space<vmem>>, %arg2: memref<10000xf32, #tpu.memory_space<vmem>>, %arg3: memref<10000xf32, #tpu.memory_space<vmem>>) attributes {dimension_semantics = [], scalar_prefetch = 0 : i64, scratch_operands = 0 : i64, tpu.core_type = #tpu.core_type<tc>} {
    %get3A = arith.constant 0 : index
    %get3A_0 = vector.load %arg0[%get3A] : memref<327680xf32, #tpu.memory_space<vmem>>, vector<10240xf32>
    %get3A_1 = arith.constant 10240 : index
    %get3A_2 = vector.load %arg0[%get3A_1] : memref<327680xf32, #tpu.memory_space<vmem>>, vector<10240xf32>
    %add3A = arith.addf %get3A_0, %get3A_2 : vector<10240xf32>
    %get3A_3 = arith.constant 20480 : index
    %get3A_4 = vector.load %arg0[%get3A_3] : memref<327680xf32, #tpu.memory_space<vmem>>, vector<10240xf32>
    %add3A_5 = arith.addf %add3A, %get3A_4 : vector<10240xf32>
    %get3A_6 = arith.constant 30720 : index
    %get3A_7 = vector.load %arg0[%get3A_6] : memref<327680xf32, #tpu.memory_space<vmem>>, vector<10240xf32>
    %add3A_8 = arith.addf %add3A_5, %get3A_7 : vector<10240xf32>
    %get3A_9 = arith.constant 40960 : index
    %get3A_10 = vector.load %arg0[%get3A_9] : memref<327680xf32, #tpu.memory_space<vmem>>, vector<10240xf32>
    %add3A_11 = arith.addf %add3A_8, %get3A_10 : vector<10240xf32>
    %get3A_12 = arith.constant 51200 : index
    %get3A_13 = vector.load %arg0[%get3A_12] : memref<327680xf32, #tpu.memory_space<vmem>>, vector<10240xf32>
    %add3A_14 = arith.addf %add3A_11, %get3A_13 : vector<10240xf32>
    %get3A_15 = arith.constant 61440 : index
    %get3A_16 = vector.load %arg0[%get3A_15] : memref<327680xf32, #tpu.memory_space<vmem>>, vector<10240xf32>
    %add3A_17 = arith.addf %add3A_14, %get3A_16 : vector<10240xf32>
    %get3A_18 = arith.constant 71680 : index
    %get3A_19 = vector.load %arg0[%get3A_18] : memref<327680xf32, #tpu.memory_space<vmem>>, vector<10240xf32>
    %add3A_20 = arith.addf %add3A_17, %get3A_19 : vector<10240xf32>
    %get3A_21 = arith.constant 81920 : index
    %get3A_22 = vector.load %arg0[%get3A_21] : memref<327680xf32, #tpu.memory_space<vmem>>, vector<10240xf32>
    %add3A_23 = arith.addf %add3A_20, %get3A_22 : vector<10240xf32>
    %get3A_24 = arith.constant 92160 : index
    %get3A_25 = vector.load %arg0[%get3A_24] : memref<327680xf32, #tpu.memory_space<vmem>>, vector<10240xf32>
    %add3A_26 = arith.addf %add3A_23, %get3A_25 : vector<10240xf32>
    %get3A_27 = arith.constant 102400 : index
    %get3A_28 = vector.load %arg0[%get3A_27] : memref<327680xf32, #tpu.memory_space<vmem>>, vector<10240xf32>
    %add3A_29 = arith.addf %add3A_26, %get3A_28 : vector<10240xf32>
    %get3A_30 = arith.constant 112640 : index
    %get3A_31 = vector.load %arg0[%get3A_30] : memref<327680xf32, #tpu.memory_space<vmem>>, vector<10240xf32>
    %add3A_32 = arith.addf %add3A_29, %get3A_31 : vector<10240xf32>
    %get3A_33 = arith.constant 122880 : index
    %get3A_34 = vector.load %arg0[%get3A_33] : memref<327680xf32, #tpu.memory_space<vmem>>, vector<10240xf32>
    %add3A_35 = arith.addf %add3A_32, %get3A_34 : vector<10240xf32>
    %get3A_36 = arith.constant 133120 : index
    %get3A_37 = vector.load %arg0[%get3A_36] : memref<327680xf32, #tpu.memory_space<vmem>>, vector<10240xf32>
    %add3A_38 = arith.addf %add3A_35, %get3A_37 : vector<10240xf32>
    %get3A_39 = arith.constant 143360 : index
    %get3A_40 = vector.load %arg0[%get3A_39] : memref<327680xf32, #tpu.memory_space<vmem>>, vector<10240xf32>
    %add3A_41 = arith.addf %add3A_38, %get3A_40 : vector<10240xf32>
    %get3A_42 = arith.constant 153600 : index
    %get3A_43 = vector.load %arg0[%get3A_42] : memref<327680xf32, #tpu.memory_space<vmem>>, vector<10240xf32>
    %add3A_44 = arith.addf %add3A_41, %get3A_43 : vector<10240xf32>
    %get3A_45 = arith.constant 163840 : index
    %get3A_46 = vector.load %arg0[%get3A_45] : memref<327680xf32, #tpu.memory_space<vmem>>, vector<10240xf32>
    %add3A_47 = arith.addf %add3A_44, %get3A_46 : vector<10240xf32>
    %get3A_48 = arith.constant 174080 : index
    %get3A_49 = vector.load %arg0[%get3A_48] : memref<327680xf32, #tpu.memory_space<vmem>>, vector<10240xf32>
    %add3A_50 = arith.addf %add3A_47, %get3A_49 : vector<10240xf32>
    %get3A_51 = arith.constant 184320 : index
    %get3A_52 = vector.load %arg0[%get3A_51] : memref<327680xf32, #tpu.memory_space<vmem>>, vector<10240xf32>
    %add3A_53 = arith.addf %add3A_50, %get3A_52 : vector<10240xf32>
    %get3A_54 = arith.constant 194560 : index
    %get3A_55 = vector.load %arg0[%get3A_54] : memref<327680xf32, #tpu.memory_space<vmem>>, vector<10240xf32>
    %add3A_56 = arith.addf %add3A_53, %get3A_55 : vector<10240xf32>
    %get3A_57 = arith.constant 204800 : index
    %get3A_58 = vector.load %arg0[%get3A_57] : memref<327680xf32, #tpu.memory_space<vmem>>, vector<10240xf32>
    %add3A_59 = arith.addf %add3A_56, %get3A_58 : vector<10240xf32>
    %get3A_60 = arith.constant 215040 : index
    %get3A_61 = vector.load %arg0[%get3A_60] : memref<327680xf32, #tpu.memory_space<vmem>>, vector<10240xf32>
    %add3A_62 = arith.addf %add3A_59, %get3A_61 : vector<10240xf32>
    %get3A_63 = arith.constant 225280 : index
    %get3A_64 = vector.load %arg0[%get3A_63] : memref<327680xf32, #tpu.memory_space<vmem>>, vector<10240xf32>
    %add3A_65 = arith.addf %add3A_62, %get3A_64 : vector<10240xf32>
    %get3A_66 = arith.constant 235520 : index
    %get3A_67 = vector.load %arg0[%get3A_66] : memref<327680xf32, #tpu.memory_space<vmem>>, vector<10240xf32>
    %add3A_68 = arith.addf %add3A_65, %get3A_67 : vector<10240xf32>
    %get3A_69 = arith.constant 245760 : index
    %get3A_70 = vector.load %arg0[%get3A_69] : memref<327680xf32, #tpu.memory_space<vmem>>, vector<10240xf32>
    %add3A_71 = arith.addf %add3A_68, %get3A_70 : vector<10240xf32>
    %get3A_72 = arith.constant 256000 : index
    %get3A_73 = vector.load %arg0[%get3A_72] : memref<327680xf32, #tpu.memory_space<vmem>>, vector<10240xf32>
    %add3A_74 = arith.addf %add3A_71, %get3A_73 : vector<10240xf32>
    %get3A_75 = arith.constant 266240 : index
    %get3A_76 = vector.load %arg0[%get3A_75] : memref<327680xf32, #tpu.memory_space<vmem>>, vector<10240xf32>
    %add3A_77 = arith.addf %add3A_74, %get3A_76 : vector<10240xf32>
    %get3A_78 = arith.constant 276480 : index
    %get3A_79 = vector.load %arg0[%get3A_78] : memref<327680xf32, #tpu.memory_space<vmem>>, vector<10240xf32>
    %add3A_80 = arith.addf %add3A_77, %get3A_79 : vector<10240xf32>
    %get3A_81 = arith.constant 286720 : index
    %get3A_82 = vector.load %arg0[%get3A_81] : memref<327680xf32, #tpu.memory_space<vmem>>, vector<10240xf32>
    %add3A_83 = arith.addf %add3A_80, %get3A_82 : vector<10240xf32>
    %get3A_84 = arith.constant 296960 : index
    %get3A_85 = vector.load %arg0[%get3A_84] : memref<327680xf32, #tpu.memory_space<vmem>>, vector<10240xf32>
    %add3A_86 = arith.addf %add3A_83, %get3A_85 : vector<10240xf32>
    %get3A_87 = arith.constant 307200 : index
    %get3A_88 = vector.load %arg0[%get3A_87] : memref<327680xf32, #tpu.memory_space<vmem>>, vector<10240xf32>
    %add3A_89 = arith.addf %add3A_86, %get3A_88 : vector<10240xf32>
    %get3A_90 = arith.constant 317440 : index
    %get3A_91 = vector.load %arg0[%get3A_90] : memref<327680xf32, #tpu.memory_space<vmem>>, vector<10240xf32>
    %add3A_92 = arith.addf %add3A_89, %get3A_91 : vector<10240xf32>
    %slice3A = vector.extract_strided_slice %add3A_92 {offsets = [0], sizes = [10000], strides = [1]} : vector<10240xf32> to vector<10000xf32>
    %gt3A = arith.constant 0.000000e+00 : f32
    %gt3A_93 = vector.broadcast %gt3A : f32 to vector<10000xf32>
    %gt3A_94 = arith.cmpf ogt, %slice3A, %gt3A_93 : vector<10000xf32>
    %max3A = arith.constant 9.99999996E-13 : f32
    %max3A_95 = vector.broadcast %max3A : f32 to vector<10000xf32>
    %max3A_96 = arith.maximumf %slice3A, %max3A_95 : vector<10000xf32>
    %rsqrt3A = math.rsqrt %max3A_96 : vector<10000xf32>
    %jit3A = arith.constant 0.000000e+00 : f32
    %broadcast_in_dim3A = vector.broadcast %jit3A : f32 to vector<10000xf32>
    %select_n3A = arith.select %gt3A_94, %rsqrt3A, %broadcast_in_dim3A : vector<10000xi1>, vector<10000xf32>
    %swap3A = arith.constant 0 : index
    %swap3A_97 = vector.load %arg2[%swap3A] : memref<10000xf32, #tpu.memory_space<vmem>>, vector<10000xf32>
    tpu.vector_store %arg2[%swap3A], %select_n3A {strides = array<i32>} : memref<10000xf32, #tpu.memory_space<vmem>>, vector<10000xf32>,
    %get3A_98 = arith.constant 0 : index
    %get3A_99 = vector.load %arg1[%get3A_98] : memref<10000xf32, #tpu.memory_space<vmem>>, vector<10000xf32>
    %mul3A = arith.mulf %select_n3A, %get3A_99 : vector<10000xf32>
    %swap3A_100 = arith.constant 0 : index
    %swap3A_101 = vector.load %arg3[%swap3A_100] : memref<10000xf32, #tpu.memory_space<vmem>>, vector<10000xf32>
    tpu.vector_store %arg3[%swap3A_100], %mul3A {strides = array<i32>} : memref<10000xf32, #tpu.memory_space<vmem>>, vector<10000xf32>,
    return
  }
}

module attributes {stable_mosaic.version = 14 : i64} {
  func.func @body(%arg0: memref<10000x128xf32, #tpu.memory_space<vmem>>, %arg1: memref<128xf32, #tpu.memory_space<vmem>>, %arg2: memref<2x128xf32, #tpu.memory_space<vmem>>, %arg3: memref<10000xf32, #tpu.memory_space<vmem>>, %arg4: memref<10000xf32, #tpu.memory_space<vmem>>, %arg5: memref<10000xf32, #tpu.memory_space<vmem>>) attributes {dimension_semantics = [], scalar_prefetch = 0 : i64, scratch_operands = 0 : i64, tpu.core_type = #tpu.core_type<tc>} {
    %get3A = arith.constant 0 : index
    %get3A_0 = vector.load %arg1[%get3A] : memref<128xf32, #tpu.memory_space<vmem>>, vector<128xf32>
    %broadcast_in_dim3A = vector.shape_cast %get3A_0 : vector<128xf32> to vector<1x128xf32>
    %get3A_1 = arith.constant 0 : index
    %get3A_2 = arith.constant 0 : index
    %get3A_3 = vector.load %arg2[%get3A_1, %get3A_2] : memref<2x128xf32, #tpu.memory_space<vmem>>, vector<2x128xf32>
    %mul3A = vector.broadcast %broadcast_in_dim3A : vector<1x128xf32> to vector<2x128xf32>
    %mul3A_4 = arith.mulf %mul3A, %get3A_3 : vector<2x128xf32>
    %get3A_5 = arith.constant 0 : index
    %get3A_6 = arith.constant 0 : index
    %get3A_7 = vector.load %arg0[%get3A_5, %get3A_6] : memref<10000x128xf32, #tpu.memory_space<vmem>>, vector<10000x128xf32>
    %dot_general3A = arith.constant dense<0.000000e+00> : vector<10000x2xf32>
    %dot_general3A_8 = tpu.matmul %get3A_7, %mul3A_4, %dot_general3A {dimension_numbers = #tpu.dot_dimension_numbers<[1], [1], [0], [0], [0, 0, 1, 0], [], []>, transpose_lhs_hint = false} : vector<10000x128xf32>, vector<2x128xf32>, vector<10000x2xf32> -> vector<10000x2xf32>
    %slice3A = vector.extract_strided_slice %dot_general3A_8 {offsets = [0, 0], sizes = [10000, 1], strides = [1, 1]} : vector<10000x2xf32> to vector<10000x1xf32>
    %squeeze3A = vector.shape_cast %slice3A : vector<10000x1xf32> to vector<10000xf32>
    %swap3A = arith.constant 0 : index
    %swap3A_9 = vector.load %arg4[%swap3A] : memref<10000xf32, #tpu.memory_space<vmem>>, vector<10000xf32>
    tpu.vector_store %arg4[%swap3A], %squeeze3A {strides = array<i32>} : memref<10000xf32, #tpu.memory_space<vmem>>, vector<10000xf32>,
    %slice3A_10 = vector.extract_strided_slice %dot_general3A_8 {offsets = [0, 1], sizes = [10000, 1], strides = [1, 1]} : vector<10000x2xf32> to vector<10000x1xf32>
    %squeeze3A_11 = vector.shape_cast %slice3A_10 : vector<10000x1xf32> to vector<10000xf32>
    %swap3A_12 = arith.constant 0 : index
    %swap3A_13 = vector.load %arg5[%swap3A_12] : memref<10000xf32, #tpu.memory_space<vmem>>, vector<10000xf32>
    tpu.vector_store %arg5[%swap3A_12], %squeeze3A_11 {strides = array<i32>} : memref<10000xf32, #tpu.memory_space<vmem>>, vector<10000xf32>,
    return
  }
}

module attributes {stable_mosaic.version = 14 : i64} {
  func.func @body(%arg0: memref<327680xf32, #tpu.memory_space<vmem>>, %arg1: memref<10000xf32, #tpu.memory_space<vmem>>, %arg2: memref<10000xf32, #tpu.memory_space<vmem>>, %arg3: memref<10000xf32, #tpu.memory_space<vmem>>) attributes {dimension_semantics = [], scalar_prefetch = 0 : i64, scratch_operands = 0 : i64, tpu.core_type = #tpu.core_type<tc>} {
    %get3A = arith.constant 0 : index
    %get3A_0 = vector.load %arg0[%get3A] : memref<327680xf32, #tpu.memory_space<vmem>>, vector<10240xf32>
    %get3A_1 = arith.constant 10240 : index
    %get3A_2 = vector.load %arg0[%get3A_1] : memref<327680xf32, #tpu.memory_space<vmem>>, vector<10240xf32>
    %add3A = arith.addf %get3A_0, %get3A_2 : vector<10240xf32>
    %get3A_3 = arith.constant 20480 : index
    %get3A_4 = vector.load %arg0[%get3A_3] : memref<327680xf32, #tpu.memory_space<vmem>>, vector<10240xf32>
    %add3A_5 = arith.addf %add3A, %get3A_4 : vector<10240xf32>
    %get3A_6 = arith.constant 30720 : index
    %get3A_7 = vector.load %arg0[%get3A_6] : memref<327680xf32, #tpu.memory_space<vmem>>, vector<10240xf32>
    %add3A_8 = arith.addf %add3A_5, %get3A_7 : vector<10240xf32>
    %get3A_9 = arith.constant 40960 : index
    %get3A_10 = vector.load %arg0[%get3A_9] : memref<327680xf32, #tpu.memory_space<vmem>>, vector<10240xf32>
    %add3A_11 = arith.addf %add3A_8, %get3A_10 : vector<10240xf32>
    %get3A_12 = arith.constant 51200 : index
    %get3A_13 = vector.load %arg0[%get3A_12] : memref<327680xf32, #tpu.memory_space<vmem>>, vector<10240xf32>
    %add3A_14 = arith.addf %add3A_11, %get3A_13 : vector<10240xf32>
    %get3A_15 = arith.constant 61440 : index
    %get3A_16 = vector.load %arg0[%get3A_15] : memref<327680xf32, #tpu.memory_space<vmem>>, vector<10240xf32>
    %add3A_17 = arith.addf %add3A_14, %get3A_16 : vector<10240xf32>
    %get3A_18 = arith.constant 71680 : index
    %get3A_19 = vector.load %arg0[%get3A_18] : memref<327680xf32, #tpu.memory_space<vmem>>, vector<10240xf32>
    %add3A_20 = arith.addf %add3A_17, %get3A_19 : vector<10240xf32>
    %get3A_21 = arith.constant 81920 : index
    %get3A_22 = vector.load %arg0[%get3A_21] : memref<327680xf32, #tpu.memory_space<vmem>>, vector<10240xf32>
    %add3A_23 = arith.addf %add3A_20, %get3A_22 : vector<10240xf32>
    %get3A_24 = arith.constant 92160 : index
    %get3A_25 = vector.load %arg0[%get3A_24] : memref<327680xf32, #tpu.memory_space<vmem>>, vector<10240xf32>
    %add3A_26 = arith.addf %add3A_23, %get3A_25 : vector<10240xf32>
    %get3A_27 = arith.constant 102400 : index
    %get3A_28 = vector.load %arg0[%get3A_27] : memref<327680xf32, #tpu.memory_space<vmem>>, vector<10240xf32>
    %add3A_29 = arith.addf %add3A_26, %get3A_28 : vector<10240xf32>
    %get3A_30 = arith.constant 112640 : index
    %get3A_31 = vector.load %arg0[%get3A_30] : memref<327680xf32, #tpu.memory_space<vmem>>, vector<10240xf32>
    %add3A_32 = arith.addf %add3A_29, %get3A_31 : vector<10240xf32>
    %get3A_33 = arith.constant 122880 : index
    %get3A_34 = vector.load %arg0[%get3A_33] : memref<327680xf32, #tpu.memory_space<vmem>>, vector<10240xf32>
    %add3A_35 = arith.addf %add3A_32, %get3A_34 : vector<10240xf32>
    %get3A_36 = arith.constant 133120 : index
    %get3A_37 = vector.load %arg0[%get3A_36] : memref<327680xf32, #tpu.memory_space<vmem>>, vector<10240xf32>
    %add3A_38 = arith.addf %add3A_35, %get3A_37 : vector<10240xf32>
    %get3A_39 = arith.constant 143360 : index
    %get3A_40 = vector.load %arg0[%get3A_39] : memref<327680xf32, #tpu.memory_space<vmem>>, vector<10240xf32>
    %add3A_41 = arith.addf %add3A_38, %get3A_40 : vector<10240xf32>
    %get3A_42 = arith.constant 153600 : index
    %get3A_43 = vector.load %arg0[%get3A_42] : memref<327680xf32, #tpu.memory_space<vmem>>, vector<10240xf32>
    %add3A_44 = arith.addf %add3A_41, %get3A_43 : vector<10240xf32>
    %get3A_45 = arith.constant 163840 : index
    %get3A_46 = vector.load %arg0[%get3A_45] : memref<327680xf32, #tpu.memory_space<vmem>>, vector<10240xf32>
    %add3A_47 = arith.addf %add3A_44, %get3A_46 : vector<10240xf32>
    %get3A_48 = arith.constant 174080 : index
    %get3A_49 = vector.load %arg0[%get3A_48] : memref<327680xf32, #tpu.memory_space<vmem>>, vector<10240xf32>
    %add3A_50 = arith.addf %add3A_47, %get3A_49 : vector<10240xf32>
    %get3A_51 = arith.constant 184320 : index
    %get3A_52 = vector.load %arg0[%get3A_51] : memref<327680xf32, #tpu.memory_space<vmem>>, vector<10240xf32>
    %add3A_53 = arith.addf %add3A_50, %get3A_52 : vector<10240xf32>
    %get3A_54 = arith.constant 194560 : index
    %get3A_55 = vector.load %arg0[%get3A_54] : memref<327680xf32, #tpu.memory_space<vmem>>, vector<10240xf32>
    %add3A_56 = arith.addf %add3A_53, %get3A_55 : vector<10240xf32>
    %get3A_57 = arith.constant 204800 : index
    %get3A_58 = vector.load %arg0[%get3A_57] : memref<327680xf32, #tpu.memory_space<vmem>>, vector<10240xf32>
    %add3A_59 = arith.addf %add3A_56, %get3A_58 : vector<10240xf32>
    %get3A_60 = arith.constant 215040 : index
    %get3A_61 = vector.load %arg0[%get3A_60] : memref<327680xf32, #tpu.memory_space<vmem>>, vector<10240xf32>
    %add3A_62 = arith.addf %add3A_59, %get3A_61 : vector<10240xf32>
    %get3A_63 = arith.constant 225280 : index
    %get3A_64 = vector.load %arg0[%get3A_63] : memref<327680xf32, #tpu.memory_space<vmem>>, vector<10240xf32>
    %add3A_65 = arith.addf %add3A_62, %get3A_64 : vector<10240xf32>
    %get3A_66 = arith.constant 235520 : index
    %get3A_67 = vector.load %arg0[%get3A_66] : memref<327680xf32, #tpu.memory_space<vmem>>, vector<10240xf32>
    %add3A_68 = arith.addf %add3A_65, %get3A_67 : vector<10240xf32>
    %get3A_69 = arith.constant 245760 : index
    %get3A_70 = vector.load %arg0[%get3A_69] : memref<327680xf32, #tpu.memory_space<vmem>>, vector<10240xf32>
    %add3A_71 = arith.addf %add3A_68, %get3A_70 : vector<10240xf32>
    %get3A_72 = arith.constant 256000 : index
    %get3A_73 = vector.load %arg0[%get3A_72] : memref<327680xf32, #tpu.memory_space<vmem>>, vector<10240xf32>
    %add3A_74 = arith.addf %add3A_71, %get3A_73 : vector<10240xf32>
    %get3A_75 = arith.constant 266240 : index
    %get3A_76 = vector.load %arg0[%get3A_75] : memref<327680xf32, #tpu.memory_space<vmem>>, vector<10240xf32>
    %add3A_77 = arith.addf %add3A_74, %get3A_76 : vector<10240xf32>
    %get3A_78 = arith.constant 276480 : index
    %get3A_79 = vector.load %arg0[%get3A_78] : memref<327680xf32, #tpu.memory_space<vmem>>, vector<10240xf32>
    %add3A_80 = arith.addf %add3A_77, %get3A_79 : vector<10240xf32>
    %get3A_81 = arith.constant 286720 : index
    %get3A_82 = vector.load %arg0[%get3A_81] : memref<327680xf32, #tpu.memory_space<vmem>>, vector<10240xf32>
    %add3A_83 = arith.addf %add3A_80, %get3A_82 : vector<10240xf32>
    %get3A_84 = arith.constant 296960 : index
    %get3A_85 = vector.load %arg0[%get3A_84] : memref<327680xf32, #tpu.memory_space<vmem>>, vector<10240xf32>
    %add3A_86 = arith.addf %add3A_83, %get3A_85 : vector<10240xf32>
    %get3A_87 = arith.constant 307200 : index
    %get3A_88 = vector.load %arg0[%get3A_87] : memref<327680xf32, #tpu.memory_space<vmem>>, vector<10240xf32>
    %add3A_89 = arith.addf %add3A_86, %get3A_88 : vector<10240xf32>
    %get3A_90 = arith.constant 317440 : index
    %get3A_91 = vector.load %arg0[%get3A_90] : memref<327680xf32, #tpu.memory_space<vmem>>, vector<10240xf32>
    %add3A_92 = arith.addf %add3A_89, %get3A_91 : vector<10240xf32>
    %slice3A = vector.extract_strided_slice %add3A_92 {offsets = [0], sizes = [10000], strides = [1]} : vector<10240xf32> to vector<10000xf32>
    %get3A_93 = arith.constant 0 : index
    %get3A_94 = vector.load %arg2[%get3A_93] : memref<10000xf32, #tpu.memory_space<vmem>>, vector<10000xf32>
    %get3A_95 = arith.constant 0 : index
    %get3A_96 = vector.load %arg1[%get3A_95] : memref<10000xf32, #tpu.memory_space<vmem>>, vector<10000xf32>
    %mul3A = arith.mulf %get3A_94, %slice3A : vector<10000xf32>
    %add3A_97 = arith.addf %get3A_96, %mul3A : vector<10000xf32>
    %mul3A_98 = arith.mulf %get3A_94, %add3A_97 : vector<10000xf32>
    %swap3A = arith.constant 0 : index
    %swap3A_99 = vector.load %arg3[%swap3A] : memref<10000xf32, #tpu.memory_space<vmem>>, vector<10000xf32>
    tpu.vector_store %arg3[%swap3A], %mul3A_98 {strides = array<i32>} : memref<10000xf32, #tpu.memory_space<vmem>>, vector<10000xf32>,
    return
  }
}

module attributes {stable_mosaic.version = 14 : i64} {
  func.func @body(%arg0: memref<327680xf32, #tpu.memory_space<vmem>>, %arg1: memref<10000xf32, #tpu.memory_space<vmem>>, %arg2: memref<10000xf32, #tpu.memory_space<vmem>>, %arg3: memref<1xf32, #tpu.memory_space<vmem>>, %arg4: memref<10000xf32, #tpu.memory_space<vmem>>) attributes {dimension_semantics = [], scalar_prefetch = 0 : i64, scratch_operands = 0 : i64, tpu.core_type = #tpu.core_type<tc>} {
    %get3A = arith.constant 0 : index
    %get3A_0 = vector.load %arg0[%get3A] : memref<327680xf32, #tpu.memory_space<vmem>>, vector<10240xf32>
    %get3A_1 = arith.constant 10240 : index
    %get3A_2 = vector.load %arg0[%get3A_1] : memref<327680xf32, #tpu.memory_space<vmem>>, vector<10240xf32>
    %add3A = arith.addf %get3A_0, %get3A_2 : vector<10240xf32>
    %get3A_3 = arith.constant 20480 : index
    %get3A_4 = vector.load %arg0[%get3A_3] : memref<327680xf32, #tpu.memory_space<vmem>>, vector<10240xf32>
    %add3A_5 = arith.addf %add3A, %get3A_4 : vector<10240xf32>
    %get3A_6 = arith.constant 30720 : index
    %get3A_7 = vector.load %arg0[%get3A_6] : memref<327680xf32, #tpu.memory_space<vmem>>, vector<10240xf32>
    %add3A_8 = arith.addf %add3A_5, %get3A_7 : vector<10240xf32>
    %get3A_9 = arith.constant 40960 : index
    %get3A_10 = vector.load %arg0[%get3A_9] : memref<327680xf32, #tpu.memory_space<vmem>>, vector<10240xf32>
    %add3A_11 = arith.addf %add3A_8, %get3A_10 : vector<10240xf32>
    %get3A_12 = arith.constant 51200 : index
    %get3A_13 = vector.load %arg0[%get3A_12] : memref<327680xf32, #tpu.memory_space<vmem>>, vector<10240xf32>
    %add3A_14 = arith.addf %add3A_11, %get3A_13 : vector<10240xf32>
    %get3A_15 = arith.constant 61440 : index
    %get3A_16 = vector.load %arg0[%get3A_15] : memref<327680xf32, #tpu.memory_space<vmem>>, vector<10240xf32>
    %add3A_17 = arith.addf %add3A_14, %get3A_16 : vector<10240xf32>
    %get3A_18 = arith.constant 71680 : index
    %get3A_19 = vector.load %arg0[%get3A_18] : memref<327680xf32, #tpu.memory_space<vmem>>, vector<10240xf32>
    %add3A_20 = arith.addf %add3A_17, %get3A_19 : vector<10240xf32>
    %get3A_21 = arith.constant 81920 : index
    %get3A_22 = vector.load %arg0[%get3A_21] : memref<327680xf32, #tpu.memory_space<vmem>>, vector<10240xf32>
    %add3A_23 = arith.addf %add3A_20, %get3A_22 : vector<10240xf32>
    %get3A_24 = arith.constant 92160 : index
    %get3A_25 = vector.load %arg0[%get3A_24] : memref<327680xf32, #tpu.memory_space<vmem>>, vector<10240xf32>
    %add3A_26 = arith.addf %add3A_23, %get3A_25 : vector<10240xf32>
    %get3A_27 = arith.constant 102400 : index
    %get3A_28 = vector.load %arg0[%get3A_27] : memref<327680xf32, #tpu.memory_space<vmem>>, vector<10240xf32>
    %add3A_29 = arith.addf %add3A_26, %get3A_28 : vector<10240xf32>
    %get3A_30 = arith.constant 112640 : index
    %get3A_31 = vector.load %arg0[%get3A_30] : memref<327680xf32, #tpu.memory_space<vmem>>, vector<10240xf32>
    %add3A_32 = arith.addf %add3A_29, %get3A_31 : vector<10240xf32>
    %get3A_33 = arith.constant 122880 : index
    %get3A_34 = vector.load %arg0[%get3A_33] : memref<327680xf32, #tpu.memory_space<vmem>>, vector<10240xf32>
    %add3A_35 = arith.addf %add3A_32, %get3A_34 : vector<10240xf32>
    %get3A_36 = arith.constant 133120 : index
    %get3A_37 = vector.load %arg0[%get3A_36] : memref<327680xf32, #tpu.memory_space<vmem>>, vector<10240xf32>
    %add3A_38 = arith.addf %add3A_35, %get3A_37 : vector<10240xf32>
    %get3A_39 = arith.constant 143360 : index
    %get3A_40 = vector.load %arg0[%get3A_39] : memref<327680xf32, #tpu.memory_space<vmem>>, vector<10240xf32>
    %add3A_41 = arith.addf %add3A_38, %get3A_40 : vector<10240xf32>
    %get3A_42 = arith.constant 153600 : index
    %get3A_43 = vector.load %arg0[%get3A_42] : memref<327680xf32, #tpu.memory_space<vmem>>, vector<10240xf32>
    %add3A_44 = arith.addf %add3A_41, %get3A_43 : vector<10240xf32>
    %get3A_45 = arith.constant 163840 : index
    %get3A_46 = vector.load %arg0[%get3A_45] : memref<327680xf32, #tpu.memory_space<vmem>>, vector<10240xf32>
    %add3A_47 = arith.addf %add3A_44, %get3A_46 : vector<10240xf32>
    %get3A_48 = arith.constant 174080 : index
    %get3A_49 = vector.load %arg0[%get3A_48] : memref<327680xf32, #tpu.memory_space<vmem>>, vector<10240xf32>
    %add3A_50 = arith.addf %add3A_47, %get3A_49 : vector<10240xf32>
    %get3A_51 = arith.constant 184320 : index
    %get3A_52 = vector.load %arg0[%get3A_51] : memref<327680xf32, #tpu.memory_space<vmem>>, vector<10240xf32>
    %add3A_53 = arith.addf %add3A_50, %get3A_52 : vector<10240xf32>
    %get3A_54 = arith.constant 194560 : index
    %get3A_55 = vector.load %arg0[%get3A_54] : memref<327680xf32, #tpu.memory_space<vmem>>, vector<10240xf32>
    %add3A_56 = arith.addf %add3A_53, %get3A_55 : vector<10240xf32>
    %get3A_57 = arith.constant 204800 : index
    %get3A_58 = vector.load %arg0[%get3A_57] : memref<327680xf32, #tpu.memory_space<vmem>>, vector<10240xf32>
    %add3A_59 = arith.addf %add3A_56, %get3A_58 : vector<10240xf32>
    %get3A_60 = arith.constant 215040 : index
    %get3A_61 = vector.load %arg0[%get3A_60] : memref<327680xf32, #tpu.memory_space<vmem>>, vector<10240xf32>
    %add3A_62 = arith.addf %add3A_59, %get3A_61 : vector<10240xf32>
    %get3A_63 = arith.constant 225280 : index
    %get3A_64 = vector.load %arg0[%get3A_63] : memref<327680xf32, #tpu.memory_space<vmem>>, vector<10240xf32>
    %add3A_65 = arith.addf %add3A_62, %get3A_64 : vector<10240xf32>
    %get3A_66 = arith.constant 235520 : index
    %get3A_67 = vector.load %arg0[%get3A_66] : memref<327680xf32, #tpu.memory_space<vmem>>, vector<10240xf32>
    %add3A_68 = arith.addf %add3A_65, %get3A_67 : vector<10240xf32>
    %get3A_69 = arith.constant 245760 : index
    %get3A_70 = vector.load %arg0[%get3A_69] : memref<327680xf32, #tpu.memory_space<vmem>>, vector<10240xf32>
    %add3A_71 = arith.addf %add3A_68, %get3A_70 : vector<10240xf32>
    %get3A_72 = arith.constant 256000 : index
    %get3A_73 = vector.load %arg0[%get3A_72] : memref<327680xf32, #tpu.memory_space<vmem>>, vector<10240xf32>
    %add3A_74 = arith.addf %add3A_71, %get3A_73 : vector<10240xf32>
    %get3A_75 = arith.constant 266240 : index
    %get3A_76 = vector.load %arg0[%get3A_75] : memref<327680xf32, #tpu.memory_space<vmem>>, vector<10240xf32>
    %add3A_77 = arith.addf %add3A_74, %get3A_76 : vector<10240xf32>
    %get3A_78 = arith.constant 276480 : index
    %get3A_79 = vector.load %arg0[%get3A_78] : memref<327680xf32, #tpu.memory_space<vmem>>, vector<10240xf32>
    %add3A_80 = arith.addf %add3A_77, %get3A_79 : vector<10240xf32>
    %get3A_81 = arith.constant 286720 : index
    %get3A_82 = vector.load %arg0[%get3A_81] : memref<327680xf32, #tpu.memory_space<vmem>>, vector<10240xf32>
    %add3A_83 = arith.addf %add3A_80, %get3A_82 : vector<10240xf32>
    %get3A_84 = arith.constant 296960 : index
    %get3A_85 = vector.load %arg0[%get3A_84] : memref<327680xf32, #tpu.memory_space<vmem>>, vector<10240xf32>
    %add3A_86 = arith.addf %add3A_83, %get3A_85 : vector<10240xf32>
    %get3A_87 = arith.constant 307200 : index
    %get3A_88 = vector.load %arg0[%get3A_87] : memref<327680xf32, #tpu.memory_space<vmem>>, vector<10240xf32>
    %add3A_89 = arith.addf %add3A_86, %get3A_88 : vector<10240xf32>
    %get3A_90 = arith.constant 317440 : index
    %get3A_91 = vector.load %arg0[%get3A_90] : memref<327680xf32, #tpu.memory_space<vmem>>, vector<10240xf32>
    %add3A_92 = arith.addf %add3A_89, %get3A_91 : vector<10240xf32>
    %get3A_93 = arith.constant 0 : index
    %get3A_94 = vector.load %arg1[%get3A_93] : memref<10000xf32, #tpu.memory_space<vmem>>, vector<10000xf32>
    %get3A_95 = arith.constant 0 : index
    %get3A_96 = vector.load %arg2[%get3A_95] : memref<10000xf32, #tpu.memory_space<vmem>>, vector<10000xf32>
    %slice3A = vector.extract_strided_slice %add3A_92 {offsets = [0], sizes = [10000], strides = [1]} : vector<10240xf32> to vector<10000xf32>
    %mul3A = arith.mulf %get3A_96, %slice3A : vector<10000xf32>
    %add3A_97 = arith.addf %get3A_94, %mul3A : vector<10000xf32>
    %get3A_98 = arith.constant 0 : index
    %get3A_99 = vector.load %arg3[%get3A_98] : memref<1xf32, #tpu.memory_space<vmem>>, vector<1xf32>
    %add3A_100 = vector.broadcast %get3A_99 : vector<1xf32> to vector<10000xf32>
    %add3A_101 = arith.addf %add3A_97, %add3A_100 : vector<10000xf32>
    %swap3A = arith.constant 0 : index
    %swap3A_102 = vector.load %arg4[%swap3A] : memref<10000xf32, #tpu.memory_space<vmem>>, vector<10000xf32>
    tpu.vector_store %arg4[%swap3A], %add3A_101 {strides = array<i32>} : memref<10000xf32, #tpu.memory_space<vmem>>, vector<10000xf32>,
    return
  }
}

</mosaic_0001>

<sc_bundles>
// kernel: kernel.10.cloned.1.call-start
scs
__scs_entry_jumppad:
0x0: {  	(pc) =	sbr.rel $0x88, $3  }
0x1: {  	(tag) =	ssettag $0x0;
	lr =	simm.s32 $0x1  }
0x2: {  	[smem:$0x3F9C] =	sst lr;
	_ =	strace $0xD0000000  }
0x3: {  	_ = 	snop  }
0x4: {  	_ = 	snop  }
0x5: {  	_ = 	snop  }
0x6: {  	_ = 	snop  }
0x7: {  	_ = 	snop  }
__scs_overlays_trampoline_lowered:
0x8: {  	[smem:$0x3FAB] =	sst s0  }
0x9: {  	[smem:$0x3FAC] =	sst s1  }
0xa: {  	[smem:$0x3FAD] =	sst s2  }
0xb: {  	[smem:$0x3FAE] =	sst s3  }
0xc: {  	[smem:$0x3FAF] =	sst s4  }
0xd: {  	[smem:$0x3FB0] =	sst s5  }
0xe: {  	[smem:$0x3FB1] =	sst s6  }
0xf: {  	[smem:$0x3FB2] =	sst s7  }
0x10: {  	[smem:$0x3FB3] =	sst s8  }
0x11: {  	[smem:$0x3FB4] =	sst s9;
	s0 =	simm.s32 @!p0 $0x0  }
0x12: {  	s1 =	sld [smem:$0x3F9A];
	s0 =	simm.s32 @p0 $0x1  }
0x13: {  	[smem:$0x3FB5] =	sst s0;
	s0 =	simm.s32 @!p1 $0x0  }
0x14: {  	s2 =	sld [smem:$0x3F99];
	s0 =	simm.s32 @p1 $0x1  }
0x15: {  	[smem:$0x3FB6] =	sst s0;
	s0 =	simm.s32 @!p2 $0x0  }
0x16: {  	s3 =	sld [smem:$0x3FDB];
	s0 =	simm.s32 @p2 $0x1  }
0x17: {  	s4 =	simm.s32 $0x1BF5;
	[smem:$0x3FB8] =	sst s0  }
0x18: {  	s0 =	sld [smem:$0x3F9B];
	_ =	swait.ge [sflag:s4], $0x0  }
0x19: {  	s7 =	sld [smem:$0x3F9C]  }
0x1a: {  	s8 =	sadd.s32 $0xFFFFE003, lr  }
0x1b: {  	s9 =	sadd.s32 $0xFFFFFEF7, lr;
	s5 =	simm.s32 $0xFFFFFFFF;
	p2 =	slt.u32 s8, $0xFFFFF086  }
0x1c: {  	p1 =	slt.u32 s9, $0xF7A;
	s5 =	simm.s32 @!p2 $0x0  }
0x1d: {  	s5 =	simm.s32 @p1 $0x1;
	p0 =	seq.s32 s7, s2  }
0x1e: {  	s7 =	smul.u32 @!p0 $0xF7A, s2;
	p2 =	seq.s32 @!p0 s5, $0x0  }
0x1f: {  	s9 =	smul.u32 $0xF7A, s1;
	s8 =	simm.s32 @!p0 $0x1BF5;
	p2 =	por !p2, p0  }
0x20: {  	[sflag:s8] =	ssyncset.s32 @!p0 $0xFFFFF086;
	s6 =	sadd.s32 @!p0 s3, s7;
	s7 =	simm.s32 @!p0 $0x108  }
0x21: {  	s3 =	sadd.s32 s3, s9;
	s6 =	sadd.s32 @!p0 $0x88, s6;
	s7 =	simm.s32 @p2 $0x1082  }
0x22: {  	[simem:s7], [sflag:s8] =	dma.local @!p0 [hbm:s6], $0xF7A  }
0x23: {  	s9 =	sor.u32 $0xD0000000, s2;
	s6 =	simm.s32 $0x108;
	_ =	swait.ge @!p0 [sflag:s8], $0x0  }
0x24: {  	s3 =	sadd.s32 $0x88, s3;
	s6 =	simm.s32 @!p1 $0x1082;
	[sflag:s4] =	ssyncset.s32 $0xFFFFF086  }
0x25: {  	[simem:s6], [sflag:s4] =	dma.local [hbm:s3], $0xF7A  }
0x26: {  	[smem:$0x3F9C] =	sst s1;
	(tag) =	ssettag s2;
	_ =	strace s9  }
0x27: {  	s1 =	sld [smem:$0x3FAC]  }
0x28: {  	s2 =	sld [smem:$0x3FAD]  }
0x29: {  	s4 =	sld [smem:$0x3FAF]  }
0x2a: {  	p0 =	seq.s32 s5, $0x0;
	s5 =	sld [smem:$0x3FB0]  }
0x2b: {  	s6 =	sld [smem:$0x3FB1]  }
0x2c: {  	s7 =	sld [smem:$0x3FB2]  }
0x2d: {  	s3 =	simm.s32 $0x108;
	s8 =	sld [smem:$0x3FB3]  }
0x2e: {  	s3 =	simm.s32 @!p0 $0x1082;
	s9 =	sld [smem:$0x3FB4]  }
0x2f: {  	lr =	sadd.s32 s0, s3;
	s0 =	sld [smem:$0x3FAB]  }
0x30: {  	s3 =	sld [smem:$0x3FAE]  }
0x31: {  	[smem:$0x3FB7] =	sst s10  }
0x32: {  	s10 =	sld [smem:$0x3FB5];
	_ =	sdelay $0x3  }
0x33: {  	p0 =	seq.s32 s10, $0x1;
	s10 =	sld [smem:$0x3FB7];
	_ =	sdelay $0x3  }
0x34: {  	[smem:$0x3FB7] =	sst s10  }
0x35: {  	s10 =	sld [smem:$0x3FB6];
	_ =	sdelay $0x3  }
0x36: {  	p1 =	seq.s32 s10, $0x1;
	s10 =	sld [smem:$0x3FB7];
	_ =	sdelay $0x3  }
0x37: {  	[smem:$0x3FB7] =	sst s10  }
0x38: {  	s10 =	sld [smem:$0x3FB8]  }
0x39: {  	_ = 	snop;
	(pc) =	sbr.ind lr, $3  }
0x3a: {  	_ = 	snop  }
0x3b: {  	_ = 	snop  }
0x3c: {  	p2 =	seq.s32 s10, $0x1;
	s10 =	sld [smem:$0x3FB7]  }
0x3d: {  	_ =	shalt  }
0x3e: {  	_ =	shalt  }
0x3f: {  	_ =	shalt  }
0x40: {  	_ =	shalt  }
0x41: {  	_ =	shalt  }
0x42: {  	_ =	shalt  }
0x43: {  	_ =	shalt  }
0x44: {  	_ =	shalt  }
0x45: {  	_ =	shalt  }
0x46: {  	_ =	shalt  }
0x47: {  	_ =	shalt  }
0x48: {  	_ =	shalt  }
0x49: {  	_ =	shalt  }
0x4a: {  	_ =	shalt  }
0x4b: {  	_ =	shalt  }
0x4c: {  	_ =	shalt  }
0x4d: {  	_ =	shalt  }
0x4e: {  	_ =	shalt  }
0x4f: {  	_ =	shalt  }
0x50: {  	_ =	shalt  }
0x51: {  	_ =	shalt  }
0x52: {  	_ =	shalt  }
0x53: {  	_ =	shalt  }
0x54: {  	_ =	shalt  }
0x55: {  	_ =	shalt  }
0x56: {  	_ =	shalt  }
0x57: {  	_ =	shalt  }
0x58: {  	_ =	shalt  }
0x59: {  	_ =	shalt  }
0x5a: {  	_ =	shalt  }
0x5b: {  	_ =	shalt  }
0x5c: {  	_ =	shalt  }
0x5d: {  	_ =	shalt  }
0x5e: {  	_ =	shalt  }
0x5f: {  	_ =	shalt  }
0x60: {  	_ =	shalt  }
0x61: {  	_ =	shalt  }
0x62: {  	_ =	shalt  }
0x63: {  	_ =	shalt  }
0x64: {  	_ =	shalt  }
0x65: {  	_ =	shalt  }
0x66: {  	_ =	shalt  }
0x67: {  	_ =	shalt  }
0x68: {  	_ =	shalt  }
0x69: {  	_ =	shalt  }
0x6a: {  	_ =	shalt  }
0x6b: {  	_ =	shalt  }
0x6c: {  	_ =	shalt  }
0x6d: {  	_ =	shalt  }
0x6e: {  	_ =	shalt  }
0x6f: {  	_ =	shalt  }
0x70: {  	_ =	shalt  }
0x71: {  	_ =	shalt  }
0x72: {  	_ =	shalt  }
0x73: {  	_ =	shalt  }
0x74: {  	_ =	shalt  }
0x75: {  	_ =	shalt  }
0x76: {  	_ =	shalt  }
0x77: {  	_ =	shalt  }
0x78: {  	_ =	shalt  }
0x79: {  	_ =	shalt  }
0x7a: {  	_ =	shalt  }
0x7b: {  	_ =	shalt  }
0x7c: {  	_ =	shalt  }
0x7d: {  	_ =	shalt  }
0x7e: {  	_ =	shalt  }
0x7f: {  	_ =	shalt  }
0x80: {  	_ =	shalt  }
0x81: {  	_ =	shalt  }
0x82: {  	_ =	shalt  }
0x83: {  	_ =	shalt  }
0x84: {  	_ =	shalt  }
0x85: {  	_ =	shalt  }
0x86: {  	_ =	shalt  }
0x87: {  	_ =	shalt  }
.Lfunc_end0:
.L_simem_size_0:
called_computation_lowered:
.L_overlay_start_0:
0x88: {  	s2 =	sld [smem:$0x3FD9]  }
0x89: {  	s3 =	sld [smem:$0x3FFE];
	_ =	sdelay $0x1  }
0x8a: {  	s1 =	srdreg.scid  }
0x8b: {  	s0 =	sand.u32 $0x1, s1  }
0x8c: {  	s16 =	sshll.u32 s0, $0xA;
	s2 =	sadd.s32 s3, s2  }
0x8d: {  	s2 =	sadd.s32 s2, s16  }
0x8e: {  	[smem:$0x3FC3] =	sst s2  }
0x8f: {  	_ = 	snop  }
0x90: {  	(tm) =	ssettm $0x1  }
0x91: {  	s17 =	sld [smem:$0x3FFB];
	_ =	sdelay $0x3  }
0x92: {  	_ =	strace s17  }
0x93: {  	s2 =	sld [smem:$0x3FFC];
	_ =	sdelay $0x3  }
0x94: {  	_ =	strace s2  }
0x95: {  	s2 =	sld [smem:$0x3FFD];
	_ =	sdelay $0x3  }
0x96: {  	_ =	strace s2  }
0x97: {  	_ =	strace $0x8FFFFFFF  }
0x98: {  	s18 =	sld [smem:$0x3FDB];
	_ =	sdelay $0x1  }
0x99: {  	s19 =	simm.s32 $_scs_section_size  }
0x9a: {  	s4 =	simm.s32 $_size__tile_overlayer_lowered;
	s5 =	simm.s32 $_tile_overlayer_lowered  }
0x9b: {  	s22 =	simm.s32 $0x1BFF;
	s21 =	sshll.u32 s5, $0x1;
	s2 =	sadd.s32 s19, s18  }
0x9c: {  	s6 =	simm.s32 $0x0;
	s20 =	sshll.u32 s4, $0x1;
	s4 =	sadd.s32 s21, s2  }
0x9d: {  	[timem:s6], [sflag:s22] =	dma.local [hbm:s4], s20  }
0x9e: {  	_ =	swait.ge [sflag:s22], s20  }
0x9f: {  	s3 =	ssub.s32 $0x0, s20;
	[sflag:s22] =	ssyncset.done $0x0  }
0xa0: {  	[sflag:s22] =	ssyncadd.s32 s3;
	_ =	sdelay $0x1  }
0xa1: {  	s23 =	simm.s32 $0x1B8B  }
0xa2: {  	_ =	swait.ge [sflag:s23], $0x1  }
0xa3: {  	[sflag:s23] =	ssyncset.done $0x0  }
0xa4: {  	s25 =	simm.s32 $0x1B8E;
	s24 =	sld [smem:$0x3FFE];
	[sflag:s23] =	ssyncadd.s32 $0xFFFFFFFF  }
0xa5: {  	s26 =	simm.s32 $execute0_lowered;
	[smem:$0x3FD2] =	sst s25  }
0xa6: {  	s4 =	sshll.u32 s26, $0x1;
	_ =	strace $0x80000046;
	[dreg:$0x1] =	wrdreg $0xFFFFFFFF  }
0xa7: {  	s28 =	simm.s32 $_size_execute0_lowered;
	s2 =	sadd.s32 s2, s4;
	[dreg:$0x0] =	wrdreg $0x0  }
0xa8: {  	s4 =	sshll.u32 s28, $0x1;
	[dreg:$0x2] =	wrdreg s2  }
0xa9: {  	[dreg:$0x3] =	wrdreg s4  }
0xaa: {  	[dreg:$0x4] =	wrdreg $0xC0  }
0xab: {  	_ =	task [dreg:s6], $0x5FFFF  }
0xac: {  	[dreg:$0x1] =	wrdreg $0xFFFFFFFF  }
0xad: {  	[dreg:$0x0] =	wrdreg $0x60  }
0xae: {  	[dreg:$0x2] =	wrdreg s24  }
0xaf: {  	[dreg:$0x3] =	wrdreg $0x9  }
0xb0: {  	_ =	task.clear_ibuf [dreg:s6], $0x4FFFF;
	_ =	strace $0x90000046  }
0xb1: {  	s29 =	simm.s32 $0x9;
	_ =	strace $0x80000048  }
0xb2: {  	_ =	swait.ge [sflag:s29], $0x1  }
0xb3: {  	[sflag:s29] =	ssyncadd.s32 $0xFFFFFFFF  }
0xb4: {  	_ =	strace $0x90000048  }
0xb5: {  	_ =	sfence  }
0xb6: {  	s30 =	sld [smem:$0x0];
	_ =	sdelay $0x2  }
0xb7: {  	s31 =	sshll.u32 s1, $0xD;
	s1 =	sshrl.u32 s1, $0x2  }
0xb8: {  	s3 =	sand.u32 $0x4000, s31;
	s1 =	sadd.s32 s1, s30  }
0xb9: {  	s0 =	sor.u32 s3, s0;
	s1 =	sshll.u32 s1, $0x11  }
0xba: {  	s0 =	sor.u32 s1, s0  }
0xbb: {  	s0 =	sadd.s32 $0x8F2B, s0  }
0xbc: {  	[sflag:s0] =	ssyncadd.remote.s32 $0x1  }
0xbd: {  	_ =	sfence.sel $0xFFFF  }
0xbe: {  	[dreg:$0x0] =	wrdreg $0xFFFFFFFF;
	(pc) =	sbr.abs _section_cstart, $3  }
0xbf: {  	[dreg:$0x1] =	wrdreg $0xFFFFFFFF  }
0xc0: {  	_ =	task.clear_ibuf [dreg:s6], $0x2FFFF;
	_ =	strace $0x9FFFFFFF  }
0xc1: {  	(tm) =	ssettm $0x7FFFFFFF  }
tec
execute0_lowered:
.L_overlay_start_1:
0x0: {  	(tag) =	ssettag $0x1  }
0x1: {  	s1 =	srdreg.scid  }
0x2: {  	s0 =	stileid.u32;
	s4 =	rddreg [dreg:$0x0];
	s2 =	simm.s32 $0x0  }
0x3: {  	s8 =	simm.s32 $0x2;
	s3 =	sand.u32 $0x1, s1;
	s30 =	sshll.u32 s0, $0x1  }
0x4: {  	s9 =	simm.s32 $0x0;
	s1 =	rddreg [dreg:$0x1];
	s5 =	sor.u32 s3, s30  }
0x5: {  	[smem:$0x7FF] =	sst s2;
	s3 =	ssub.s32 $0x2, s3;
	s6 =	smul.u32 $0x2710, s5  }
0x6: {  	_ =	strace $0x80000047;
	s5 =	smul.u32 $0x500, s5;
	s7 =	sshrl.u32 s3, $0x1  }
0x7: {  	s31 =	ssub.s32 s3, s7;
	s7 =	simm.s32 $0x2780;
	s6 =	sshrl.u32 s6, $0x3  }
0x8: {  	s6 =	sadd.s32 s4, s6;
	s4 =	sadd.s32 s5, s4;
	s5 =	smax.u32 s31, $0x1  }
0x9: {  	v0 =	vimm.f32 $0.0e+00;
	v1 =	vimm.f32 $1.000000000e+00;
	s3 =	sadd.s32 $0xBE40, s6;
	s4 =	sadd.s32 $0x15C00, s4;
	s6 =	simm.s32 $0x1  }
.LBB2_1:
0xa: {  	[tilespmem:s2], [sflag:$0x1] =	stream.linear.gather [hbm4b:s3+s2], $0x2710, $0x38;
	[tilespmem:$0x4F80] =	vst v63  }
0xb: {  	s10 =	simm.s32 $0x27C0  }
0xc: {  	[tilespmem:s10+$0xFFFFFFC0] =	vst v0  }
0xd: {  	[tilespmem:s10+$0x30] =	vst v0  }
0xe: {  	[tilespmem:s10+$0x20] =	vst v0  }
0xf: {  	[tilespmem:s10+$0x10] =	vst v0  }
0x10: {  	[tilespmem:s10+$0x0] =	vst v0  }
0x11: {  	[tilespmem:s10+$0xFFFFFFF0] =	vst v0  }
0x12: {  	s11 =	simm.s32 $0x0;
	[tilespmem:s10+$0xFFFFFFE0] =	vst v0  }
.LBB2_2:
0x13: {  	s11 =	sadd.s32 $0x8, s11;
	[tilespmem:s10+$0xFFFFFFD0] =	vst v0;
	s10 =	sadd.s32 $0x80, s10  }
0x14: {  	[tilespmem:s10+$0xFFFFFFC0] =	vst v0;
	p0 =	slt.u32 s11, $0x278  }
0x15: {  	[tilespmem:s10+$0x30] =	vst v0  }
.Ltmp0:
0x16: {  	[tilespmem:s10+$0x20] =	vst v0;
	(pc) =	sbr.rel @p0 .LBB2_2-.Ltmp0, $4  }
0x17: {  	[tilespmem:s10+$0x10] =	vst v0  }
0x18: {  	[tilespmem:s10+$0x0] =	vst v0  }
0x19: {  	[tilespmem:s10+$0xFFFFFFF0] =	vst v0  }
0x1a: {  	[tilespmem:s10+$0xFFFFFFE0] =	vst v0  }
0x1b: {  	[tilespmem:s10+$0xFFFFFFD0] =	vst v0  }
0x1c: {  	_ =	swait.ge [sflag:s6], $0x2710  }
0x1d: {  	[sflag:s6] =	ssyncset.done $0x0  }
0x1e: {  	s10 =	simm.s32 $0xFFFFFFF8;
	s11 =	simm.s32 $0x40;
	[sflag:s6] =	ssyncadd.s32 $0xFFFFD8F0  }
.LBB2_4:
0x1f: {  	v2 =	vld [tilespmem:s11+$0xFFFFFFC0];
	_ =	sdelay $0x7  }
0x20: {  	[tilespmem:v2+s7+$0x0] =	vst.idx.add.f32.msk $0xffff, v1  }
0x21: {  	v2 =	vld [tilespmem:s11+$0xFFFFFFD0];
	_ =	sdelay $0x7  }
0x22: {  	[tilespmem:v2+s7+$0x0] =	vst.idx.add.f32.msk $0xffff, v1  }
0x23: {  	v2 =	vld [tilespmem:s11+$0xFFFFFFE0];
	_ =	sdelay $0x7  }
0x24: {  	[tilespmem:v2+s7+$0x0] =	vst.idx.add.f32.msk $0xffff, v1  }
0x25: {  	v2 =	vld [tilespmem:s11+$0xFFFFFFF0];
	_ =	sdelay $0x7  }
0x26: {  	[tilespmem:v2+s7+$0x0] =	vst.idx.add.f32.msk $0xffff, v1  }
0x27: {  	v2 =	vld [tilespmem:s11+$0x0];
	_ =	sdelay $0x7  }
0x28: {  	[tilespmem:v2+s7+$0x0] =	vst.idx.add.f32.msk $0xffff, v1  }
0x29: {  	v2 =	vld [tilespmem:s11+$0x10];
	_ =	sdelay $0x7  }
0x2a: {  	[tilespmem:v2+s7+$0x0] =	vst.idx.add.f32.msk $0xffff, v1  }
0x2b: {  	v2 =	vld [tilespmem:s11+$0x20];
	_ =	sdelay $0x7  }
0x2c: {  	[tilespmem:v2+s7+$0x0] =	vst.idx.add.f32.msk $0xffff, v1  }
0x2d: {  	v2 =	vld [tilespmem:s11+$0x30];
	_ =	sdelay $0x1  }
0x2e: {  	s10 =	sadd.s32 $0x8, s10  }
0x2f: {  	p0 =	slt.u32 s10, $0x268  }
.Ltmp1:
0x30: {  	_ = 	snop;
	(pc) =	sbr.rel @p0 .LBB2_4-.Ltmp1, $2  }
0x31: {  	_ =	sdelay $0x2  }
0x32: {  	s11 =	sadd.s32 $0x80, s11;
	[tilespmem:v2+s7+$0x0] =	vst.idx.add.f32.msk $0xffff, v1  }
0x33: {  	v2 =	vld [tilespmem:$0x2700];
	_ =	sdelay $0x5  }
0x34: {  	s9 =	sadd.s32 $0x1, s9  }
0x35: {  	p0 =	sne.s32 s9, s5  }
.Ltmp2:
0x36: {  	[tilespmem:v2+s7+$0x0] =	vst.idx.add.f32.msk $0xffff, v1;
	(pc) =	sbr.rel @p0 .LBB2_1-.Ltmp2, $4  }
0x37: {  	[hbm4b:s4+s2] =	stream.linear.scatter [tilespmem:s7], [sflag:$0x2], $0x2800, $0x38;
	[tilespmem:$0x4F80] =	vst v63  }
0x38: {  	_ =	swait.ge [sflag:s8], $0x2800  }
0x39: {  	[sflag:s8] =	ssyncset.done $0x0  }
0x3a: {  	[sflag:s8] =	ssyncadd.s32 $0xFFFFD800  }
0x3b: {  	_ =	sfence.sel $0x180000  }
0x3c: {  	[bflag:$0x0] =	sbarrier.arrive $0xFFFF  }
0x3d: {  	p0 =	sne.s32 s0, $0x0;
	_ =	strace $0x90000047  }
0x3e: {  	s0 =	sadd.s32 @!p0 $0x100000, s1;
	[bflag:$0x2] =	sbarrier.arrive $0xFFFF  }
0x3f: {  	[sflag:s0] =	ssyncadd.tile.s32 @!p0 $0x1;
	_ =	shalt  }
.Lfunc_end2:
_tile_overlayer_lowered:
.L_overlay_start_2:
0x40: {  	(tag) =	ssettag $0x2  }
0x41: {  	s0 =	rddreg [dreg:$0x0];
	s2 =	stileid.u32  }
0x42: {  	s1 =	rddreg [dreg:$0x1];
	p0 =	sne.s32 s2, $0x0  }
0x43: {  	s3 =	rddreg [dreg:$0x2];
	[bflag:$0x3] =	sbarrier.arrive $0xFFFF;
	s2 =	simm.s32 @!p0 $0x1C02  }
0x44: {  	[timem:s3], [sflag:s2] =	dma.local @!p0 [hbm:s0], s1  }
0x45: {  	s0 =	simm.s32 @!p0 $0x2  }
0x46: {  	_ =	swait.ge @!p0 [sflag:s0], s1  }
0x47: {  	s1 =	ssub.s32 @!p0 $0x0, s1;
	[sflag:s0] =	ssyncset.done @!p0 $0x0  }
0x48: {  	[sflag:s0] =	ssyncadd.s32 @!p0 s1  }
0x49: {  	[bflag:$0x3] =	sbarrier.arrive $0xFFFF  }
0x4a: {  	_ =	shalt  }

// kernel: kernel.13.cloned.1.call-start
scs
__scs_entry_jumppad:
0x0: {  	(pc) =	sbr.rel $0x88, $3  }
0x1: {  	(tag) =	ssettag $0x0;
	lr =	simm.s32 $0x1  }
0x2: {  	[smem:$0x3F9C] =	sst lr;
	_ =	strace $0xD0000000  }
0x3: {  	_ = 	snop  }
0x4: {  	_ = 	snop  }
0x5: {  	_ = 	snop  }
0x6: {  	_ = 	snop  }
0x7: {  	_ = 	snop  }
__scs_overlays_trampoline_lowered:
0x8: {  	[smem:$0x3FAB] =	sst s0  }
0x9: {  	[smem:$0x3FAC] =	sst s1  }
0xa: {  	[smem:$0x3FAD] =	sst s2  }
0xb: {  	[smem:$0x3FAE] =	sst s3  }
0xc: {  	[smem:$0x3FAF] =	sst s4  }
0xd: {  	[smem:$0x3FB0] =	sst s5  }
0xe: {  	[smem:$0x3FB1] =	sst s6  }
0xf: {  	[smem:$0x3FB2] =	sst s7  }
0x10: {  	[smem:$0x3FB3] =	sst s8  }
0x11: {  	[smem:$0x3FB4] =	sst s9;
	s0 =	simm.s32 @!p0 $0x0  }
0x12: {  	s1 =	sld [smem:$0x3F9A];
	s0 =	simm.s32 @p0 $0x1  }
0x13: {  	[smem:$0x3FB5] =	sst s0;
	s0 =	simm.s32 @!p1 $0x0  }
0x14: {  	s2 =	sld [smem:$0x3F99];
	s0 =	simm.s32 @p1 $0x1  }
0x15: {  	[smem:$0x3FB6] =	sst s0;
	s0 =	simm.s32 @!p2 $0x0  }
0x16: {  	s3 =	sld [smem:$0x3FDB];
	s0 =	simm.s32 @p2 $0x1  }
0x17: {  	s4 =	simm.s32 $0x1BF5;
	[smem:$0x3FB8] =	sst s0  }
0x18: {  	s0 =	sld [smem:$0x3F9B];
	_ =	swait.ge [sflag:s4], $0x0  }
0x19: {  	s7 =	sld [smem:$0x3F9C]  }
0x1a: {  	s8 =	sadd.s32 $0xFFFFE003, lr  }
0x1b: {  	s9 =	sadd.s32 $0xFFFFFEF7, lr;
	s5 =	simm.s32 $0xFFFFFFFF;
	p2 =	slt.u32 s8, $0xFFFFF086  }
0x1c: {  	p1 =	slt.u32 s9, $0xF7A;
	s5 =	simm.s32 @!p2 $0x0  }
0x1d: {  	s5 =	simm.s32 @p1 $0x1;
	p0 =	seq.s32 s7, s2  }
0x1e: {  	s7 =	smul.u32 @!p0 $0xF7A, s2;
	p2 =	seq.s32 @!p0 s5, $0x0  }
0x1f: {  	s9 =	smul.u32 $0xF7A, s1;
	s8 =	simm.s32 @!p0 $0x1BF5;
	p2 =	por !p2, p0  }
0x20: {  	[sflag:s8] =	ssyncset.s32 @!p0 $0xFFFFF086;
	s6 =	sadd.s32 @!p0 s3, s7;
	s7 =	simm.s32 @!p0 $0x108  }
0x21: {  	s3 =	sadd.s32 s3, s9;
	s6 =	sadd.s32 @!p0 $0x88, s6;
	s7 =	simm.s32 @p2 $0x1082  }
0x22: {  	[simem:s7], [sflag:s8] =	dma.local @!p0 [hbm:s6], $0xF7A  }
0x23: {  	s9 =	sor.u32 $0xD0000000, s2;
	s6 =	simm.s32 $0x108;
	_ =	swait.ge @!p0 [sflag:s8], $0x0  }
0x24: {  	s3 =	sadd.s32 $0x88, s3;
	s6 =	simm.s32 @!p1 $0x1082;
	[sflag:s4] =	ssyncset.s32 $0xFFFFF086  }
0x25: {  	[simem:s6], [sflag:s4] =	dma.local [hbm:s3], $0xF7A  }
0x26: {  	[smem:$0x3F9C] =	sst s1;
	(tag) =	ssettag s2;
	_ =	strace s9  }
0x27: {  	s1 =	sld [smem:$0x3FAC]  }
0x28: {  	s2 =	sld [smem:$0x3FAD]  }
0x29: {  	s4 =	sld [smem:$0x3FAF]  }
0x2a: {  	p0 =	seq.s32 s5, $0x0;
	s5 =	sld [smem:$0x3FB0]  }
0x2b: {  	s6 =	sld [smem:$0x3FB1]  }
0x2c: {  	s7 =	sld [smem:$0x3FB2]  }
0x2d: {  	s3 =	simm.s32 $0x108;
	s8 =	sld [smem:$0x3FB3]  }
0x2e: {  	s3 =	simm.s32 @!p0 $0x1082;
	s9 =	sld [smem:$0x3FB4]  }
0x2f: {  	lr =	sadd.s32 s0, s3;
	s0 =	sld [smem:$0x3FAB]  }
0x30: {  	s3 =	sld [smem:$0x3FAE]  }
0x31: {  	[smem:$0x3FB7] =	sst s10  }
0x32: {  	s10 =	sld [smem:$0x3FB5];
	_ =	sdelay $0x3  }
0x33: {  	p0 =	seq.s32 s10, $0x1;
	s10 =	sld [smem:$0x3FB7];
	_ =	sdelay $0x3  }
0x34: {  	[smem:$0x3FB7] =	sst s10  }
0x35: {  	s10 =	sld [smem:$0x3FB6];
	_ =	sdelay $0x3  }
0x36: {  	p1 =	seq.s32 s10, $0x1;
	s10 =	sld [smem:$0x3FB7];
	_ =	sdelay $0x3  }
0x37: {  	[smem:$0x3FB7] =	sst s10  }
0x38: {  	s10 =	sld [smem:$0x3FB8]  }
0x39: {  	_ = 	snop;
	(pc) =	sbr.ind lr, $3  }
0x3a: {  	_ = 	snop  }
0x3b: {  	_ = 	snop  }
0x3c: {  	p2 =	seq.s32 s10, $0x1;
	s10 =	sld [smem:$0x3FB7]  }
0x3d: {  	_ =	shalt  }
0x3e: {  	_ =	shalt  }
0x3f: {  	_ =	shalt  }
0x40: {  	_ =	shalt  }
0x41: {  	_ =	shalt  }
0x42: {  	_ =	shalt  }
0x43: {  	_ =	shalt  }
0x44: {  	_ =	shalt  }
0x45: {  	_ =	shalt  }
0x46: {  	_ =	shalt  }
0x47: {  	_ =	shalt  }
0x48: {  	_ =	shalt  }
0x49: {  	_ =	shalt  }
0x4a: {  	_ =	shalt  }
0x4b: {  	_ =	shalt  }
0x4c: {  	_ =	shalt  }
0x4d: {  	_ =	shalt  }
0x4e: {  	_ =	shalt  }
0x4f: {  	_ =	shalt  }
0x50: {  	_ =	shalt  }
0x51: {  	_ =	shalt  }
0x52: {  	_ =	shalt  }
0x53: {  	_ =	shalt  }
0x54: {  	_ =	shalt  }
0x55: {  	_ =	shalt  }
0x56: {  	_ =	shalt  }
0x57: {  	_ =	shalt  }
0x58: {  	_ =	shalt  }
0x59: {  	_ =	shalt  }
0x5a: {  	_ =	shalt  }
0x5b: {  	_ =	shalt  }
0x5c: {  	_ =	shalt  }
0x5d: {  	_ =	shalt  }
0x5e: {  	_ =	shalt  }
0x5f: {  	_ =	shalt  }
0x60: {  	_ =	shalt  }
0x61: {  	_ =	shalt  }
0x62: {  	_ =	shalt  }
0x63: {  	_ =	shalt  }
0x64: {  	_ =	shalt  }
0x65: {  	_ =	shalt  }
0x66: {  	_ =	shalt  }
0x67: {  	_ =	shalt  }
0x68: {  	_ =	shalt  }
0x69: {  	_ =	shalt  }
0x6a: {  	_ =	shalt  }
0x6b: {  	_ =	shalt  }
0x6c: {  	_ =	shalt  }
0x6d: {  	_ =	shalt  }
0x6e: {  	_ =	shalt  }
0x6f: {  	_ =	shalt  }
0x70: {  	_ =	shalt  }
0x71: {  	_ =	shalt  }
0x72: {  	_ =	shalt  }
0x73: {  	_ =	shalt  }
0x74: {  	_ =	shalt  }
0x75: {  	_ =	shalt  }
0x76: {  	_ =	shalt  }
0x77: {  	_ =	shalt  }
0x78: {  	_ =	shalt  }
0x79: {  	_ =	shalt  }
0x7a: {  	_ =	shalt  }
0x7b: {  	_ =	shalt  }
0x7c: {  	_ =	shalt  }
0x7d: {  	_ =	shalt  }
0x7e: {  	_ =	shalt  }
0x7f: {  	_ =	shalt  }
0x80: {  	_ =	shalt  }
0x81: {  	_ =	shalt  }
0x82: {  	_ =	shalt  }
0x83: {  	_ =	shalt  }
0x84: {  	_ =	shalt  }
0x85: {  	_ =	shalt  }
0x86: {  	_ =	shalt  }
0x87: {  	_ =	shalt  }
.Lfunc_end0:
.L_simem_size_0:
called_computation.1_lowered:
.L_overlay_start_0:
0x88: {  	s2 =	sld [smem:$0x3FD9]  }
0x89: {  	s3 =	sld [smem:$0x3FFE];
	_ =	sdelay $0x1  }
0x8a: {  	s1 =	srdreg.scid  }
0x8b: {  	s0 =	sand.u32 $0x1, s1  }
0x8c: {  	s16 =	sshll.u32 s0, $0xA;
	s2 =	sadd.s32 s3, s2  }
0x8d: {  	s2 =	sadd.s32 s2, s16  }
0x8e: {  	[smem:$0x3FC3] =	sst s2  }
0x8f: {  	_ = 	snop  }
0x90: {  	(tm) =	ssettm $0x1  }
0x91: {  	s17 =	sld [smem:$0x3FFB];
	_ =	sdelay $0x3  }
0x92: {  	_ =	strace s17  }
0x93: {  	s2 =	sld [smem:$0x3FFC];
	_ =	sdelay $0x3  }
0x94: {  	_ =	strace s2  }
0x95: {  	s2 =	sld [smem:$0x3FFD];
	_ =	sdelay $0x3  }
0x96: {  	_ =	strace s2  }
0x97: {  	_ =	strace $0x8FFFFFFF  }
0x98: {  	s18 =	sld [smem:$0x3FDB];
	_ =	sdelay $0x1  }
0x99: {  	s19 =	simm.s32 $_scs_section_size  }
0x9a: {  	s4 =	simm.s32 $_size__tile_overlayer_lowered;
	s5 =	simm.s32 $_tile_overlayer_lowered  }
0x9b: {  	s22 =	simm.s32 $0x1BFF;
	s21 =	sshll.u32 s5, $0x1;
	s2 =	sadd.s32 s19, s18  }
0x9c: {  	s6 =	simm.s32 $0x0;
	s20 =	sshll.u32 s4, $0x1;
	s4 =	sadd.s32 s21, s2  }
0x9d: {  	[timem:s6], [sflag:s22] =	dma.local [hbm:s4], s20  }
0x9e: {  	_ =	swait.ge [sflag:s22], s20  }
0x9f: {  	s3 =	ssub.s32 $0x0, s20;
	[sflag:s22] =	ssyncset.done $0x0  }
0xa0: {  	[sflag:s22] =	ssyncadd.s32 s3;
	_ =	sdelay $0x1  }
0xa1: {  	s23 =	simm.s32 $0x1B8B  }
0xa2: {  	_ =	swait.ge [sflag:s23], $0x1  }
0xa3: {  	[sflag:s23] =	ssyncset.done $0x0  }
0xa4: {  	s25 =	simm.s32 $0x1B8E;
	s24 =	sld [smem:$0x3FFE];
	[sflag:s23] =	ssyncadd.s32 $0xFFFFFFFF  }
0xa5: {  	s26 =	simm.s32 $execute0_lowered;
	[smem:$0x3FD2] =	sst s25  }
0xa6: {  	s4 =	sshll.u32 s26, $0x1;
	_ =	strace $0x80000049;
	[dreg:$0x1] =	wrdreg $0xFFFFFFFF  }
0xa7: {  	s28 =	simm.s32 $_size_execute0_lowered;
	s2 =	sadd.s32 s2, s4;
	[dreg:$0x0] =	wrdreg $0x0  }
0xa8: {  	s4 =	sshll.u32 s28, $0x1;
	[dreg:$0x2] =	wrdreg s2  }
0xa9: {  	[dreg:$0x3] =	wrdreg s4  }
0xaa: {  	[dreg:$0x4] =	wrdreg $0xC0  }
0xab: {  	_ =	task [dreg:s6], $0x5FFFF  }
0xac: {  	[dreg:$0x1] =	wrdreg $0xFFFFFFFF  }
0xad: {  	[dreg:$0x0] =	wrdreg $0x60  }
0xae: {  	[dreg:$0x2] =	wrdreg s24  }
0xaf: {  	[dreg:$0x3] =	wrdreg $0x9  }
0xb0: {  	_ =	task.clear_ibuf [dreg:s6], $0x4FFFF;
	_ =	strace $0x90000049  }
0xb1: {  	s29 =	simm.s32 $0x9;
	_ =	strace $0x8000004B  }
0xb2: {  	_ =	swait.ge [sflag:s29], $0x1  }
0xb3: {  	[sflag:s29] =	ssyncadd.s32 $0xFFFFFFFF  }
0xb4: {  	_ =	strace $0x9000004B  }
0xb5: {  	_ =	sfence  }
0xb6: {  	s30 =	sld [smem:$0x0];
	_ =	sdelay $0x2  }
0xb7: {  	s31 =	sshll.u32 s1, $0xD;
	s1 =	sshrl.u32 s1, $0x2  }
0xb8: {  	s3 =	sand.u32 $0x4000, s31;
	s1 =	sadd.s32 s1, s30  }
0xb9: {  	s0 =	sor.u32 s3, s0;
	s1 =	sshll.u32 s1, $0x11  }
0xba: {  	s0 =	sor.u32 s1, s0  }
0xbb: {  	s0 =	sadd.s32 $0x8F2B, s0  }
0xbc: {  	[sflag:s0] =	ssyncadd.remote.s32 $0x1  }
0xbd: {  	_ =	sfence.sel $0xFFFF  }
0xbe: {  	[dreg:$0x0] =	wrdreg $0xFFFFFFFF;
	(pc) =	sbr.abs _section_cstart, $3  }
0xbf: {  	[dreg:$0x1] =	wrdreg $0xFFFFFFFF  }
0xc0: {  	_ =	task.clear_ibuf [dreg:s6], $0x2FFFF;
	_ =	strace $0x9FFFFFFF  }
0xc1: {  	(tm) =	ssettm $0x7FFFFFFF  }
tec
execute0_lowered:
.L_overlay_start_1:
0x0: {  	(tag) =	ssettag $0x1  }
0x1: {  	s1 =	srdreg.scid;
	s0 =	stileid.u32  }
0x2: {  	s4 =	rddreg [dreg:$0x0];
	s2 =	simm.s32 $0x0;
	s10 =	simm.s32 $0x1  }
0x3: {  	s11 =	simm.s32 $0x7680;
	s3 =	sand.u32 $0x1, s1;
	s5 =	sshll.u32 s0, $0x1  }
0x4: {  	s12 =	simm.s32 $0x2;
	s1 =	rddreg [dreg:$0x1];
	s5 =	sor.u32 s3, s5  }
0x5: {  	s13 =	simm.s32 $0x0;
	[smem:$0x7FF] =	sst s2;
	s6 =	smul.u32 $0x2710, s5  }
0x6: {  	_ =	strace $0x8000004A;
	s7 =	ssub.s32 $0x2, s3;
	s3 =	sadd.s32 $0x15C00, s4  }
0x7: {  	s5 =	smul.u32 $0x500, s5;
	s8 =	sshrl.u32 s7, $0x1;
	s6 =	sshrl.u32 s6, $0x3  }
0x8: {  	s7 =	ssub.s32 s7, s8;
	s8 =	simm.s32 $0x2780;
	s6 =	sadd.s32 s6, s4  }
0x9: {  	s9 =	sadd.s32 s5, s4;
	s7 =	smax.u32 s7, $0x1;
	s4 =	sadd.s32 $0x2200, s6  }
0xa: {  	v0 =	vimm.f32 $0.0e+00;
	s5 =	sadd.s32 $0xBE40, s6;
	s6 =	sadd.s32 $0x16200, s9;
	s9 =	simm.s32 $0x4F00  }
.LBB2_1:
0xb: {  	[tilespmem:s2], [sflag:$0x1] =	stream.linear.gather [hbm4b:s4+s2], $0x2710, $0x38;
	[tilespmem:$0x9E80] =	vst v63  }
0xc: {  	_ = 	snop  }
0xd: {  	[tilespmem:s8], [sflag:$0x1] =	stream.linear.gather [hbm4b:s5+s2], $0x2710, $0x38;
	[tilespmem:$0x9E80] =	vst v63  }
0xe: {  	s14 =	simm.s32 $0x76C0  }
0xf: {  	[tilespmem:s9], [sflag:$0x1] =	stream.linear.gather [hbm4b:s3+s2], $0x2780, $0x38;
	[tilespmem:$0x9E80] =	vst v63  }
0x10: {  	[tilespmem:s14+$0xFFFFFFC0] =	vst v0  }
0x11: {  	[tilespmem:s14+$0x30] =	vst v0  }
0x12: {  	[tilespmem:s14+$0x20] =	vst v0  }
0x13: {  	[tilespmem:s14+$0x10] =	vst v0  }
0x14: {  	[tilespmem:s14+$0x0] =	vst v0  }
0x15: {  	[tilespmem:s14+$0xFFFFFFF0] =	vst v0  }
0x16: {  	s15 =	simm.s32 $0x0;
	[tilespmem:s14+$0xFFFFFFE0] =	vst v0  }
.LBB2_2:
0x17: {  	s15 =	sadd.s32 $0x8, s15;
	[tilespmem:s14+$0xFFFFFFD0] =	vst v0;
	s14 =	sadd.s32 $0x80, s14  }
0x18: {  	[tilespmem:s14+$0xFFFFFFC0] =	vst v0;
	p0 =	slt.u32 s15, $0x278  }
0x19: {  	[tilespmem:s14+$0x30] =	vst v0  }
.Ltmp0:
0x1a: {  	[tilespmem:s14+$0x20] =	vst v0;
	(pc) =	sbr.rel @p0 .LBB2_2-.Ltmp0, $4  }
0x1b: {  	[tilespmem:s14+$0x10] =	vst v0  }
0x1c: {  	[tilespmem:s14+$0x0] =	vst v0  }
0x1d: {  	[tilespmem:s14+$0xFFFFFFF0] =	vst v0  }
0x1e: {  	[tilespmem:s14+$0xFFFFFFE0] =	vst v0  }
0x1f: {  	[tilespmem:s14+$0xFFFFFFD0] =	vst v0  }
0x20: {  	_ =	swait.ge [sflag:s10], $0x2710  }
0x21: {  	[sflag:s10] =	ssyncset.done $0x0  }
0x22: {  	[sflag:s10] =	ssyncadd.s32 $0xFFFFD8F0  }
0x23: {  	_ =	swait.ge [sflag:s10], $0x2710  }
0x24: {  	[sflag:s10] =	ssyncset.done $0x0  }
0x25: {  	[sflag:s10] =	ssyncadd.s32 $0xFFFFD8F0  }
0x26: {  	_ =	swait.ge [sflag:s10], $0x2780  }
0x27: {  	s14 =	simm.s32 $0xFFFFFFF8;
	[sflag:s10] =	ssyncset.done $0x0  }
0x28: {  	s15 =	simm.s32 $0x40;
	s16 =	simm.s32 $0x27C0;
	[sflag:s10] =	ssyncadd.s32 $0xFFFFD880  }
.LBB2_4:
0x29: {  	v1 =	vld [tilespmem:s15+$0xFFFFFFC0];
	_ =	sdelay $0x4  }
0x2a: {  	v2 =	vld [tilespmem:s16+$0xFFFFFFC0];
	_ =	sdelay $0x2  }
0x2b: {  	v1 =	vld.idx.msk [tilespmem:v1+s9+$0x0], $0xffff;
	_ =	sdelay $0x4  }
0x2c: {  	[tilespmem:v2+s11+$0x0] =	vst.idx.add.f32.msk $0xffff, v1  }
0x2d: {  	v1 =	vld [tilespmem:s15+$0xFFFFFFD0];
	_ =	sdelay $0x4  }
0x2e: {  	v2 =	vld [tilespmem:s16+$0xFFFFFFD0];
	_ =	sdelay $0x2  }
0x2f: {  	v1 =	vld.idx.msk [tilespmem:v1+s9+$0x0], $0xffff;
	_ =	sdelay $0x4  }
0x30: {  	[tilespmem:v2+s11+$0x0] =	vst.idx.add.f32.msk $0xffff, v1  }
0x31: {  	v1 =	vld [tilespmem:s15+$0xFFFFFFE0];
	_ =	sdelay $0x4  }
0x32: {  	v2 =	vld [tilespmem:s16+$0xFFFFFFE0];
	_ =	sdelay $0x2  }
0x33: {  	v1 =	vld.idx.msk [tilespmem:v1+s9+$0x0], $0xffff;
	_ =	sdelay $0x4  }
0x34: {  	[tilespmem:v2+s11+$0x0] =	vst.idx.add.f32.msk $0xffff, v1  }
0x35: {  	v1 =	vld [tilespmem:s15+$0xFFFFFFF0];
	_ =	sdelay $0x4  }
0x36: {  	v2 =	vld [tilespmem:s16+$0xFFFFFFF0];
	_ =	sdelay $0x2  }
0x37: {  	v1 =	vld.idx.msk [tilespmem:v1+s9+$0x0], $0xffff;
	_ =	sdelay $0x4  }
0x38: {  	[tilespmem:v2+s11+$0x0] =	vst.idx.add.f32.msk $0xffff, v1  }
0x39: {  	v1 =	vld [tilespmem:s15+$0x0];
	_ =	sdelay $0x4  }
0x3a: {  	v2 =	vld [tilespmem:s16+$0x0];
	_ =	sdelay $0x2  }
0x3b: {  	v1 =	vld.idx.msk [tilespmem:v1+s9+$0x0], $0xffff;
	_ =	sdelay $0x4  }
0x3c: {  	[tilespmem:v2+s11+$0x0] =	vst.idx.add.f32.msk $0xffff, v1  }
0x3d: {  	v1 =	vld [tilespmem:s15+$0x10];
	_ =	sdelay $0x4  }
0x3e: {  	v2 =	vld [tilespmem:s16+$0x10];
	_ =	sdelay $0x2  }
0x3f: {  	v1 =	vld.idx.msk [tilespmem:v1+s9+$0x0], $0xffff;
	_ =	sdelay $0x4  }
0x40: {  	[tilespmem:v2+s11+$0x0] =	vst.idx.add.f32.msk $0xffff, v1  }
0x41: {  	v1 =	vld [tilespmem:s15+$0x20];
	_ =	sdelay $0x4  }
0x42: {  	v2 =	vld [tilespmem:s16+$0x20];
	_ =	sdelay $0x2  }
0x43: {  	v1 =	vld.idx.msk [tilespmem:v1+s9+$0x0], $0xffff;
	_ =	sdelay $0x4  }
0x44: {  	[tilespmem:v2+s11+$0x0] =	vst.idx.add.f32.msk $0xffff, v1  }
0x45: {  	v1 =	vld [tilespmem:s15+$0x30];
	_ =	sdelay $0x4  }
0x46: {  	v2 =	vld [tilespmem:s16+$0x30];
	_ =	sdelay $0x1  }
0x47: {  	s14 =	sadd.s32 $0x8, s14  }
0x48: {  	p0 =	slt.u32 s14, $0x268;
	v1 =	vld.idx.msk [tilespmem:v1+s9+$0x0], $0xffff  }
.Ltmp1:
0x49: {  	_ = 	snop;
	(pc) =	sbr.rel @p0 .LBB2_4-.Ltmp1, $2  }
0x4a: {  	_ =	sdelay $0x2  }
0x4b: {  	s15 =	sadd.s32 $0x80, s15;
	s16 =	sadd.s32 $0x80, s16;
	[tilespmem:v2+s11+$0x0] =	vst.idx.add.f32.msk $0xffff, v1  }
0x4c: {  	v1 =	vld [tilespmem:$0x2700];
	_ =	sdelay $0x4  }
0x4d: {  	v2 =	vld [tilespmem:$0x4E80];
	_ =	sdelay $0x2  }
0x4e: {  	v1 =	vld.idx.msk [tilespmem:v1+s9+$0x0], $0xffff;
	_ =	sdelay $0x2  }
0x4f: {  	s13 =	sadd.s32 $0x1, s13  }
0x50: {  	p0 =	sne.s32 s13, s7  }
.Ltmp2:
0x51: {  	[tilespmem:v2+s11+$0x0] =	vst.idx.add.f32.msk $0xffff, v1;
	(pc) =	sbr.rel @p0 .LBB2_1-.Ltmp2, $4  }
0x52: {  	[hbm4b:s6+s2] =	stream.linear.scatter [tilespmem:s11], [sflag:$0x2], $0x2800, $0x38;
	[tilespmem:$0x9E80] =	vst v63  }
0x53: {  	_ =	swait.ge [sflag:s12], $0x2800  }
0x54: {  	[sflag:s12] =	ssyncset.done $0x0  }
0x55: {  	[sflag:s12] =	ssyncadd.s32 $0xFFFFD800  }
0x56: {  	_ =	sfence.sel $0x180000  }
0x57: {  	[bflag:$0x0] =	sbarrier.arrive $0xFFFF  }
0x58: {  	p0 =	sne.s32 s0, $0x0;
	_ =	strace $0x9000004A  }
0x59: {  	s0 =	sadd.s32 @!p0 $0x100000, s1;
	[bflag:$0x2] =	sbarrier.arrive $0xFFFF  }
0x5a: {  	[sflag:s0] =	ssyncadd.tile.s32 @!p0 $0x1;
	_ =	shalt  }
.Lfunc_end2:
_tile_overlayer_lowered:
.L_overlay_start_2:
0x5b: {  	(tag) =	ssettag $0x2  }
0x5c: {  	s0 =	rddreg [dreg:$0x0];
	s2 =	stileid.u32  }
0x5d: {  	s1 =	rddreg [dreg:$0x1];
	p0 =	sne.s32 s2, $0x0  }
0x5e: {  	s3 =	rddreg [dreg:$0x2];
	[bflag:$0x3] =	sbarrier.arrive $0xFFFF;
	s2 =	simm.s32 @!p0 $0x1C02  }
0x5f: {  	[timem:s3], [sflag:s2] =	dma.local @!p0 [hbm:s0], s1  }
0x60: {  	s0 =	simm.s32 @!p0 $0x2  }
0x61: {  	_ =	swait.ge @!p0 [sflag:s0], s1  }
0x62: {  	s1 =	ssub.s32 @!p0 $0x0, s1;
	[sflag:s0] =	ssyncset.done @!p0 $0x0  }
0x63: {  	[sflag:s0] =	ssyncadd.s32 @!p0 s1  }
0x64: {  	[bflag:$0x3] =	sbarrier.arrive $0xFFFF  }
0x65: {  	_ =	shalt  }

// kernel: kernel.16.cloned.1.call-start
scs
__scs_entry_jumppad:
0x0: {  	(pc) =	sbr.rel $0x88, $3  }
0x1: {  	(tag) =	ssettag $0x0;
	lr =	simm.s32 $0x1  }
0x2: {  	[smem:$0x3F9C] =	sst lr;
	_ =	strace $0xD0000000  }
0x3: {  	_ = 	snop  }
0x4: {  	_ = 	snop  }
0x5: {  	_ = 	snop  }
0x6: {  	_ = 	snop  }
0x7: {  	_ = 	snop  }
__scs_overlays_trampoline_lowered:
0x8: {  	[smem:$0x3FAB] =	sst s0  }
0x9: {  	[smem:$0x3FAC] =	sst s1  }
0xa: {  	[smem:$0x3FAD] =	sst s2  }
0xb: {  	[smem:$0x3FAE] =	sst s3  }
0xc: {  	[smem:$0x3FAF] =	sst s4  }
0xd: {  	[smem:$0x3FB0] =	sst s5  }
0xe: {  	[smem:$0x3FB1] =	sst s6  }
0xf: {  	[smem:$0x3FB2] =	sst s7  }
0x10: {  	[smem:$0x3FB3] =	sst s8  }
0x11: {  	[smem:$0x3FB4] =	sst s9;
	s0 =	simm.s32 @!p0 $0x0  }
0x12: {  	s1 =	sld [smem:$0x3F9A];
	s0 =	simm.s32 @p0 $0x1  }
0x13: {  	[smem:$0x3FB5] =	sst s0;
	s0 =	simm.s32 @!p1 $0x0  }
0x14: {  	s2 =	sld [smem:$0x3F99];
	s0 =	simm.s32 @p1 $0x1  }
0x15: {  	[smem:$0x3FB6] =	sst s0;
	s0 =	simm.s32 @!p2 $0x0  }
0x16: {  	s3 =	sld [smem:$0x3FDB];
	s0 =	simm.s32 @p2 $0x1  }
0x17: {  	s4 =	simm.s32 $0x1BF5;
	[smem:$0x3FB8] =	sst s0  }
0x18: {  	s0 =	sld [smem:$0x3F9B];
	_ =	swait.ge [sflag:s4], $0x0  }
0x19: {  	s7 =	sld [smem:$0x3F9C]  }
0x1a: {  	s8 =	sadd.s32 $0xFFFFE003, lr  }
0x1b: {  	s9 =	sadd.s32 $0xFFFFFEF7, lr;
	s5 =	simm.s32 $0xFFFFFFFF;
	p2 =	slt.u32 s8, $0xFFFFF086  }
0x1c: {  	p1 =	slt.u32 s9, $0xF7A;
	s5 =	simm.s32 @!p2 $0x0  }
0x1d: {  	s5 =	simm.s32 @p1 $0x1;
	p0 =	seq.s32 s7, s2  }
0x1e: {  	s7 =	smul.u32 @!p0 $0xF7A, s2;
	p2 =	seq.s32 @!p0 s5, $0x0  }
0x1f: {  	s9 =	smul.u32 $0xF7A, s1;
	s8 =	simm.s32 @!p0 $0x1BF5;
	p2 =	por !p2, p0  }
0x20: {  	[sflag:s8] =	ssyncset.s32 @!p0 $0xFFFFF086;
	s6 =	sadd.s32 @!p0 s3, s7;
	s7 =	simm.s32 @!p0 $0x108  }
0x21: {  	s3 =	sadd.s32 s3, s9;
	s6 =	sadd.s32 @!p0 $0x88, s6;
	s7 =	simm.s32 @p2 $0x1082  }
0x22: {  	[simem:s7], [sflag:s8] =	dma.local @!p0 [hbm:s6], $0xF7A  }
0x23: {  	s9 =	sor.u32 $0xD0000000, s2;
	s6 =	simm.s32 $0x108;
	_ =	swait.ge @!p0 [sflag:s8], $0x0  }
0x24: {  	s3 =	sadd.s32 $0x88, s3;
	s6 =	simm.s32 @!p1 $0x1082;
	[sflag:s4] =	ssyncset.s32 $0xFFFFF086  }
0x25: {  	[simem:s6], [sflag:s4] =	dma.local [hbm:s3], $0xF7A  }
0x26: {  	[smem:$0x3F9C] =	sst s1;
	(tag) =	ssettag s2;
	_ =	strace s9  }
0x27: {  	s1 =	sld [smem:$0x3FAC]  }
0x28: {  	s2 =	sld [smem:$0x3FAD]  }
0x29: {  	s4 =	sld [smem:$0x3FAF]  }
0x2a: {  	p0 =	seq.s32 s5, $0x0;
	s5 =	sld [smem:$0x3FB0]  }
0x2b: {  	s6 =	sld [smem:$0x3FB1]  }
0x2c: {  	s7 =	sld [smem:$0x3FB2]  }
0x2d: {  	s3 =	simm.s32 $0x108;
	s8 =	sld [smem:$0x3FB3]  }
0x2e: {  	s3 =	simm.s32 @!p0 $0x1082;
	s9 =	sld [smem:$0x3FB4]  }
0x2f: {  	lr =	sadd.s32 s0, s3;
	s0 =	sld [smem:$0x3FAB]  }
0x30: {  	s3 =	sld [smem:$0x3FAE]  }
0x31: {  	[smem:$0x3FB7] =	sst s10  }
0x32: {  	s10 =	sld [smem:$0x3FB5];
	_ =	sdelay $0x3  }
0x33: {  	p0 =	seq.s32 s10, $0x1;
	s10 =	sld [smem:$0x3FB7];
	_ =	sdelay $0x3  }
0x34: {  	[smem:$0x3FB7] =	sst s10  }
0x35: {  	s10 =	sld [smem:$0x3FB6];
	_ =	sdelay $0x3  }
0x36: {  	p1 =	seq.s32 s10, $0x1;
	s10 =	sld [smem:$0x3FB7];
	_ =	sdelay $0x3  }
0x37: {  	[smem:$0x3FB7] =	sst s10  }
0x38: {  	s10 =	sld [smem:$0x3FB8]  }
0x39: {  	_ = 	snop;
	(pc) =	sbr.ind lr, $3  }
0x3a: {  	_ = 	snop  }
0x3b: {  	_ = 	snop  }
0x3c: {  	p2 =	seq.s32 s10, $0x1;
	s10 =	sld [smem:$0x3FB7]  }
0x3d: {  	_ =	shalt  }
0x3e: {  	_ =	shalt  }
0x3f: {  	_ =	shalt  }
0x40: {  	_ =	shalt  }
0x41: {  	_ =	shalt  }
0x42: {  	_ =	shalt  }
0x43: {  	_ =	shalt  }
0x44: {  	_ =	shalt  }
0x45: {  	_ =	shalt  }
0x46: {  	_ =	shalt  }
0x47: {  	_ =	shalt  }
0x48: {  	_ =	shalt  }
0x49: {  	_ =	shalt  }
0x4a: {  	_ =	shalt  }
0x4b: {  	_ =	shalt  }
0x4c: {  	_ =	shalt  }
0x4d: {  	_ =	shalt  }
0x4e: {  	_ =	shalt  }
0x4f: {  	_ =	shalt  }
0x50: {  	_ =	shalt  }
0x51: {  	_ =	shalt  }
0x52: {  	_ =	shalt  }
0x53: {  	_ =	shalt  }
0x54: {  	_ =	shalt  }
0x55: {  	_ =	shalt  }
0x56: {  	_ =	shalt  }
0x57: {  	_ =	shalt  }
0x58: {  	_ =	shalt  }
0x59: {  	_ =	shalt  }
0x5a: {  	_ =	shalt  }
0x5b: {  	_ =	shalt  }
0x5c: {  	_ =	shalt  }
0x5d: {  	_ =	shalt  }
0x5e: {  	_ =	shalt  }
0x5f: {  	_ =	shalt  }
0x60: {  	_ =	shalt  }
0x61: {  	_ =	shalt  }
0x62: {  	_ =	shalt  }
0x63: {  	_ =	shalt  }
0x64: {  	_ =	shalt  }
0x65: {  	_ =	shalt  }
0x66: {  	_ =	shalt  }
0x67: {  	_ =	shalt  }
0x68: {  	_ =	shalt  }
0x69: {  	_ =	shalt  }
0x6a: {  	_ =	shalt  }
0x6b: {  	_ =	shalt  }
0x6c: {  	_ =	shalt  }
0x6d: {  	_ =	shalt  }
0x6e: {  	_ =	shalt  }
0x6f: {  	_ =	shalt  }
0x70: {  	_ =	shalt  }
0x71: {  	_ =	shalt  }
0x72: {  	_ =	shalt  }
0x73: {  	_ =	shalt  }
0x74: {  	_ =	shalt  }
0x75: {  	_ =	shalt  }
0x76: {  	_ =	shalt  }
0x77: {  	_ =	shalt  }
0x78: {  	_ =	shalt  }
0x79: {  	_ =	shalt  }
0x7a: {  	_ =	shalt  }
0x7b: {  	_ =	shalt  }
0x7c: {  	_ =	shalt  }
0x7d: {  	_ =	shalt  }
0x7e: {  	_ =	shalt  }
0x7f: {  	_ =	shalt  }
0x80: {  	_ =	shalt  }
0x81: {  	_ =	shalt  }
0x82: {  	_ =	shalt  }
0x83: {  	_ =	shalt  }
0x84: {  	_ =	shalt  }
0x85: {  	_ =	shalt  }
0x86: {  	_ =	shalt  }
0x87: {  	_ =	shalt  }
.Lfunc_end0:
.L_simem_size_0:
called_computation.2_lowered:
.L_overlay_start_0:
0x88: {  	s2 =	sld [smem:$0x3FD9]  }
0x89: {  	s3 =	sld [smem:$0x3FFE];
	_ =	sdelay $0x1  }
0x8a: {  	s1 =	srdreg.scid  }
0x8b: {  	s0 =	sand.u32 $0x1, s1  }
0x8c: {  	s16 =	sshll.u32 s0, $0xA;
	s2 =	sadd.s32 s3, s2  }
0x8d: {  	s2 =	sadd.s32 s2, s16  }
0x8e: {  	[smem:$0x3FC3] =	sst s2  }
0x8f: {  	_ = 	snop  }
0x90: {  	(tm) =	ssettm $0x1  }
0x91: {  	s17 =	sld [smem:$0x3FFB];
	_ =	sdelay $0x3  }
0x92: {  	_ =	strace s17  }
0x93: {  	s2 =	sld [smem:$0x3FFC];
	_ =	sdelay $0x3  }
0x94: {  	_ =	strace s2  }
0x95: {  	s2 =	sld [smem:$0x3FFD];
	_ =	sdelay $0x3  }
0x96: {  	_ =	strace s2  }
0x97: {  	_ =	strace $0x8FFFFFFF  }
0x98: {  	s18 =	sld [smem:$0x3FDB];
	_ =	sdelay $0x1  }
0x99: {  	s19 =	simm.s32 $_scs_section_size  }
0x9a: {  	s4 =	simm.s32 $_size__tile_overlayer_lowered;
	s5 =	simm.s32 $_tile_overlayer_lowered  }
0x9b: {  	s22 =	simm.s32 $0x1BFF;
	s21 =	sshll.u32 s5, $0x1;
	s2 =	sadd.s32 s19, s18  }
0x9c: {  	s6 =	simm.s32 $0x0;
	s20 =	sshll.u32 s4, $0x1;
	s4 =	sadd.s32 s21, s2  }
0x9d: {  	[timem:s6], [sflag:s22] =	dma.local [hbm:s4], s20  }
0x9e: {  	_ =	swait.ge [sflag:s22], s20  }
0x9f: {  	s3 =	ssub.s32 $0x0, s20;
	[sflag:s22] =	ssyncset.done $0x0  }
0xa0: {  	[sflag:s22] =	ssyncadd.s32 s3;
	_ =	sdelay $0x1  }
0xa1: {  	s23 =	simm.s32 $0x1B8B  }
0xa2: {  	_ =	swait.ge [sflag:s23], $0x1  }
0xa3: {  	[sflag:s23] =	ssyncset.done $0x0  }
0xa4: {  	s25 =	simm.s32 $0x1B8E;
	s24 =	sld [smem:$0x3FFE];
	[sflag:s23] =	ssyncadd.s32 $0xFFFFFFFF  }
0xa5: {  	s26 =	simm.s32 $execute0_lowered;
	[smem:$0x3FD2] =	sst s25  }
0xa6: {  	s4 =	sshll.u32 s26, $0x1;
	_ =	strace $0x8000004C;
	[dreg:$0x1] =	wrdreg $0xFFFFFFFF  }
0xa7: {  	s28 =	simm.s32 $_size_execute0_lowered;
	s2 =	sadd.s32 s2, s4;
	[dreg:$0x0] =	wrdreg $0x0  }
0xa8: {  	s4 =	sshll.u32 s28, $0x1;
	[dreg:$0x2] =	wrdreg s2  }
0xa9: {  	[dreg:$0x3] =	wrdreg s4  }
0xaa: {  	[dreg:$0x4] =	wrdreg $0xC0  }
0xab: {  	_ =	task [dreg:s6], $0x5FFFF  }
0xac: {  	[dreg:$0x1] =	wrdreg $0xFFFFFFFF  }
0xad: {  	[dreg:$0x0] =	wrdreg $0x60  }
0xae: {  	[dreg:$0x2] =	wrdreg s24  }
0xaf: {  	[dreg:$0x3] =	wrdreg $0x9  }
0xb0: {  	_ =	task.clear_ibuf [dreg:s6], $0x4FFFF;
	_ =	strace $0x9000004C  }
0xb1: {  	s29 =	simm.s32 $0x9;
	_ =	strace $0x8000004E  }
0xb2: {  	_ =	swait.ge [sflag:s29], $0x1  }
0xb3: {  	[sflag:s29] =	ssyncadd.s32 $0xFFFFFFFF  }
0xb4: {  	_ =	strace $0x9000004E  }
0xb5: {  	_ =	sfence  }
0xb6: {  	s30 =	sld [smem:$0x0];
	_ =	sdelay $0x2  }
0xb7: {  	s31 =	sshll.u32 s1, $0xD;
	s1 =	sshrl.u32 s1, $0x2  }
0xb8: {  	s3 =	sand.u32 $0x4000, s31;
	s1 =	sadd.s32 s1, s30  }
0xb9: {  	s0 =	sor.u32 s3, s0;
	s1 =	sshll.u32 s1, $0x11  }
0xba: {  	s0 =	sor.u32 s1, s0  }
0xbb: {  	s0 =	sadd.s32 $0x8F2B, s0  }
0xbc: {  	[sflag:s0] =	ssyncadd.remote.s32 $0x1  }
0xbd: {  	_ =	sfence.sel $0xFFFF  }
0xbe: {  	[dreg:$0x0] =	wrdreg $0xFFFFFFFF;
	(pc) =	sbr.abs _section_cstart, $3  }
0xbf: {  	[dreg:$0x1] =	wrdreg $0xFFFFFFFF  }
0xc0: {  	_ =	task.clear_ibuf [dreg:s6], $0x2FFFF;
	_ =	strace $0x9FFFFFFF  }
0xc1: {  	(tm) =	ssettm $0x7FFFFFFF  }
tec
execute0_lowered:
.L_overlay_start_1:
0x0: {  	(tag) =	ssettag $0x1  }
0x1: {  	s1 =	srdreg.scid;
	s0 =	stileid.u32  }
0x2: {  	s4 =	rddreg [dreg:$0x0];
	s2 =	simm.s32 $0x0;
	s10 =	simm.s32 $0x1  }
0x3: {  	s11 =	simm.s32 $0x7680;
	s3 =	sand.u32 $0x1, s1;
	s5 =	sshll.u32 s0, $0x1  }
0x4: {  	s12 =	simm.s32 $0x2;
	s1 =	rddreg [dreg:$0x1];
	s5 =	sor.u32 s3, s5  }
0x5: {  	s13 =	simm.s32 $0x0;
	[smem:$0x7FF] =	sst s2;
	s6 =	smul.u32 $0x2710, s5  }
0x6: {  	_ =	strace $0x8000004D;
	s7 =	ssub.s32 $0x2, s3;
	s3 =	sadd.s32 $0x15C00, s4  }
0x7: {  	s5 =	smul.u32 $0x500, s5;
	s8 =	sshrl.u32 s7, $0x1;
	s6 =	sshrl.u32 s6, $0x3  }
0x8: {  	s7 =	ssub.s32 s7, s8;
	s8 =	simm.s32 $0x2780;
	s6 =	sadd.s32 s6, s4  }
0x9: {  	s9 =	sadd.s32 s5, s4;
	s7 =	smax.u32 s7, $0x1;
	s4 =	sadd.s32 $0x2200, s6  }
0xa: {  	v0 =	vimm.f32 $0.0e+00;
	s5 =	sadd.s32 $0xBE40, s6;
	s6 =	sadd.s32 $0x16200, s9;
	s9 =	simm.s32 $0x4F00  }
.LBB2_1:
0xb: {  	[tilespmem:s2], [sflag:$0x1] =	stream.linear.gather [hbm4b:s4+s2], $0x2710, $0x38;
	[tilespmem:$0x9E80] =	vst v63  }
0xc: {  	_ = 	snop  }
0xd: {  	[tilespmem:s8], [sflag:$0x1] =	stream.linear.gather [hbm4b:s5+s2], $0x2710, $0x38;
	[tilespmem:$0x9E80] =	vst v63  }
0xe: {  	s14 =	simm.s32 $0x76C0  }
0xf: {  	[tilespmem:s9], [sflag:$0x1] =	stream.linear.gather [hbm4b:s3+s2], $0x2780, $0x38;
	[tilespmem:$0x9E80] =	vst v63  }
0x10: {  	[tilespmem:s14+$0xFFFFFFC0] =	vst v0  }
0x11: {  	[tilespmem:s14+$0x30] =	vst v0  }
0x12: {  	[tilespmem:s14+$0x20] =	vst v0  }
0x13: {  	[tilespmem:s14+$0x10] =	vst v0  }
0x14: {  	[tilespmem:s14+$0x0] =	vst v0  }
0x15: {  	[tilespmem:s14+$0xFFFFFFF0] =	vst v0  }
0x16: {  	s15 =	simm.s32 $0x0;
	[tilespmem:s14+$0xFFFFFFE0] =	vst v0  }
.LBB2_2:
0x17: {  	s15 =	sadd.s32 $0x8, s15;
	[tilespmem:s14+$0xFFFFFFD0] =	vst v0;
	s14 =	sadd.s32 $0x80, s14  }
0x18: {  	[tilespmem:s14+$0xFFFFFFC0] =	vst v0;
	p0 =	slt.u32 s15, $0x278  }
0x19: {  	[tilespmem:s14+$0x30] =	vst v0  }
.Ltmp0:
0x1a: {  	[tilespmem:s14+$0x20] =	vst v0;
	(pc) =	sbr.rel @p0 .LBB2_2-.Ltmp0, $4  }
0x1b: {  	[tilespmem:s14+$0x10] =	vst v0  }
0x1c: {  	[tilespmem:s14+$0x0] =	vst v0  }
0x1d: {  	[tilespmem:s14+$0xFFFFFFF0] =	vst v0  }
0x1e: {  	[tilespmem:s14+$0xFFFFFFE0] =	vst v0  }
0x1f: {  	[tilespmem:s14+$0xFFFFFFD0] =	vst v0  }
0x20: {  	_ =	swait.ge [sflag:s10], $0x2710  }
0x21: {  	[sflag:s10] =	ssyncset.done $0x0  }
0x22: {  	[sflag:s10] =	ssyncadd.s32 $0xFFFFD8F0  }
0x23: {  	_ =	swait.ge [sflag:s10], $0x2710  }
0x24: {  	[sflag:s10] =	ssyncset.done $0x0  }
0x25: {  	[sflag:s10] =	ssyncadd.s32 $0xFFFFD8F0  }
0x26: {  	_ =	swait.ge [sflag:s10], $0x2780  }
0x27: {  	s14 =	simm.s32 $0xFFFFFFF8;
	[sflag:s10] =	ssyncset.done $0x0  }
0x28: {  	s15 =	simm.s32 $0x40;
	s16 =	simm.s32 $0x27C0;
	[sflag:s10] =	ssyncadd.s32 $0xFFFFD880  }
.LBB2_4:
0x29: {  	v1 =	vld [tilespmem:s15+$0xFFFFFFC0];
	_ =	sdelay $0x4  }
0x2a: {  	v2 =	vld [tilespmem:s16+$0xFFFFFFC0];
	_ =	sdelay $0x2  }
0x2b: {  	v1 =	vld.idx.msk [tilespmem:v1+s9+$0x0], $0xffff;
	_ =	sdelay $0x4  }
0x2c: {  	[tilespmem:v2+s11+$0x0] =	vst.idx.add.f32.msk $0xffff, v1  }
0x2d: {  	v1 =	vld [tilespmem:s15+$0xFFFFFFD0];
	_ =	sdelay $0x4  }
0x2e: {  	v2 =	vld [tilespmem:s16+$0xFFFFFFD0];
	_ =	sdelay $0x2  }
0x2f: {  	v1 =	vld.idx.msk [tilespmem:v1+s9+$0x0], $0xffff;
	_ =	sdelay $0x4  }
0x30: {  	[tilespmem:v2+s11+$0x0] =	vst.idx.add.f32.msk $0xffff, v1  }
0x31: {  	v1 =	vld [tilespmem:s15+$0xFFFFFFE0];
	_ =	sdelay $0x4  }
0x32: {  	v2 =	vld [tilespmem:s16+$0xFFFFFFE0];
	_ =	sdelay $0x2  }
0x33: {  	v1 =	vld.idx.msk [tilespmem:v1+s9+$0x0], $0xffff;
	_ =	sdelay $0x4  }
0x34: {  	[tilespmem:v2+s11+$0x0] =	vst.idx.add.f32.msk $0xffff, v1  }
0x35: {  	v1 =	vld [tilespmem:s15+$0xFFFFFFF0];
	_ =	sdelay $0x4  }
0x36: {  	v2 =	vld [tilespmem:s16+$0xFFFFFFF0];
	_ =	sdelay $0x2  }
0x37: {  	v1 =	vld.idx.msk [tilespmem:v1+s9+$0x0], $0xffff;
	_ =	sdelay $0x4  }
0x38: {  	[tilespmem:v2+s11+$0x0] =	vst.idx.add.f32.msk $0xffff, v1  }
0x39: {  	v1 =	vld [tilespmem:s15+$0x0];
	_ =	sdelay $0x4  }
0x3a: {  	v2 =	vld [tilespmem:s16+$0x0];
	_ =	sdelay $0x2  }
0x3b: {  	v1 =	vld.idx.msk [tilespmem:v1+s9+$0x0], $0xffff;
	_ =	sdelay $0x4  }
0x3c: {  	[tilespmem:v2+s11+$0x0] =	vst.idx.add.f32.msk $0xffff, v1  }
0x3d: {  	v1 =	vld [tilespmem:s15+$0x10];
	_ =	sdelay $0x4  }
0x3e: {  	v2 =	vld [tilespmem:s16+$0x10];
	_ =	sdelay $0x2  }
0x3f: {  	v1 =	vld.idx.msk [tilespmem:v1+s9+$0x0], $0xffff;
	_ =	sdelay $0x4  }
0x40: {  	[tilespmem:v2+s11+$0x0] =	vst.idx.add.f32.msk $0xffff, v1  }
0x41: {  	v1 =	vld [tilespmem:s15+$0x20];
	_ =	sdelay $0x4  }
0x42: {  	v2 =	vld [tilespmem:s16+$0x20];
	_ =	sdelay $0x2  }
0x43: {  	v1 =	vld.idx.msk [tilespmem:v1+s9+$0x0], $0xffff;
	_ =	sdelay $0x4  }
0x44: {  	[tilespmem:v2+s11+$0x0] =	vst.idx.add.f32.msk $0xffff, v1  }
0x45: {  	v1 =	vld [tilespmem:s15+$0x30];
	_ =	sdelay $0x4  }
0x46: {  	v2 =	vld [tilespmem:s16+$0x30];
	_ =	sdelay $0x1  }
0x47: {  	s14 =	sadd.s32 $0x8, s14  }
0x48: {  	p0 =	slt.u32 s14, $0x268;
	v1 =	vld.idx.msk [tilespmem:v1+s9+$0x0], $0xffff  }
.Ltmp1:
0x49: {  	_ = 	snop;
	(pc) =	sbr.rel @p0 .LBB2_4-.Ltmp1, $2  }
0x4a: {  	_ =	sdelay $0x2  }
0x4b: {  	s15 =	sadd.s32 $0x80, s15;
	s16 =	sadd.s32 $0x80, s16;
	[tilespmem:v2+s11+$0x0] =	vst.idx.add.f32.msk $0xffff, v1  }
0x4c: {  	v1 =	vld [tilespmem:$0x2700];
	_ =	sdelay $0x4  }
0x4d: {  	v2 =	vld [tilespmem:$0x4E80];
	_ =	sdelay $0x2  }
0x4e: {  	v1 =	vld.idx.msk [tilespmem:v1+s9+$0x0], $0xffff;
	_ =	sdelay $0x2  }
0x4f: {  	s13 =	sadd.s32 $0x1, s13  }
0x50: {  	p0 =	sne.s32 s13, s7  }
.Ltmp2:
0x51: {  	[tilespmem:v2+s11+$0x0] =	vst.idx.add.f32.msk $0xffff, v1;
	(pc) =	sbr.rel @p0 .LBB2_1-.Ltmp2, $4  }
0x52: {  	[hbm4b:s6+s2] =	stream.linear.scatter [tilespmem:s11], [sflag:$0x2], $0x2800, $0x38;
	[tilespmem:$0x9E80] =	vst v63  }
0x53: {  	_ =	swait.ge [sflag:s12], $0x2800  }
0x54: {  	[sflag:s12] =	ssyncset.done $0x0  }
0x55: {  	[sflag:s12] =	ssyncadd.s32 $0xFFFFD800  }
0x56: {  	_ =	sfence.sel $0x180000  }
0x57: {  	[bflag:$0x0] =	sbarrier.arrive $0xFFFF  }
0x58: {  	p0 =	sne.s32 s0, $0x0;
	_ =	strace $0x9000004D  }
0x59: {  	s0 =	sadd.s32 @!p0 $0x100000, s1;
	[bflag:$0x2] =	sbarrier.arrive $0xFFFF  }
0x5a: {  	[sflag:s0] =	ssyncadd.tile.s32 @!p0 $0x1;
	_ =	shalt  }
.Lfunc_end2:
_tile_overlayer_lowered:
.L_overlay_start_2:
0x5b: {  	(tag) =	ssettag $0x2  }
0x5c: {  	s0 =	rddreg [dreg:$0x0];
	s2 =	stileid.u32  }
0x5d: {  	s1 =	rddreg [dreg:$0x1];
	p0 =	sne.s32 s2, $0x0  }
0x5e: {  	s3 =	rddreg [dreg:$0x2];
	[bflag:$0x3] =	sbarrier.arrive $0xFFFF;
	s2 =	simm.s32 @!p0 $0x1C02  }
0x5f: {  	[timem:s3], [sflag:s2] =	dma.local @!p0 [hbm:s0], s1  }
0x60: {  	s0 =	simm.s32 @!p0 $0x2  }
0x61: {  	_ =	swait.ge @!p0 [sflag:s0], s1  }
0x62: {  	s1 =	ssub.s32 @!p0 $0x0, s1;
	[sflag:s0] =	ssyncset.done @!p0 $0x0  }
0x63: {  	[sflag:s0] =	ssyncadd.s32 @!p0 s1  }
0x64: {  	[bflag:$0x3] =	sbarrier.arrive $0xFFFF  }
0x65: {  	_ =	shalt  }

</sc_bundles>
